<compile_context>
chip_gen: v7x
topology: tpu7x:2x2x1
jax: 0.10.2.dev20260603
libtpu: 0.0.44.dev20260713+nightly
codegen_flags: <defaults>
</compile_context>

<pallas_src>
import functools

import jax
import jax.numpy as jnp
from jax import lax
from jax.experimental import pallas as pl
from jax.experimental.pallas import tpu as pltpu
from jax.experimental.pallas import tpu_sc as plsc

_B, _N, _DN, _DE, _H1, _H2, _DOUT, _MAXP, _MAXE = 8, 64, 2048, 1024, 512, 256, 512, 32, 172
_NN = _N * _N
_SLOTP = 192
_L = 16
_NW = 32
_WPS = _NW // _B
_RPW = _SLOTP // _WPS


_KC = 512
_KSTEPS = _DN // _KC


def _dense_body(x_ref, wphi1_ref, bphi1_ref, wphi2_ref, bphi2_ref,
                wpsi1_ref, bpsi1_ref, wpsi2_ref, bpsi2_ref,
                wobj_ref, bobj_ref, i0_ref, i1_ref, nobj_ref, nrel_ref,
                score_ref, slot_ref, vmask_ref, nemb_ref,
                aphi_ref, apsi_ref):
    f32 = jnp.float32
    k = pl.program_id(0)
    x = x_ref[...]
    pphi = jnp.dot(x, wphi1_ref[...])
    ppsi = jnp.dot(x, wpsi1_ref[...])
    pobj = jnp.dot(x, wobj_ref[...])

    @pl.when(k == 0)
    def _():
        aphi_ref[...] = pphi
        apsi_ref[...] = ppsi
        nemb_ref[...] = pobj

    @pl.when(k > 0)
    def _():
        aphi_ref[...] += pphi
        apsi_ref[...] += ppsi
        nemb_ref[...] += pobj

    @pl.when(k == _KSTEPS - 1)
    def _tail():
        nemb_ref[...] += bobj_ref[...]
        _dense_tail(aphi_ref, apsi_ref, bphi1_ref, wphi2_ref, bphi2_ref,
                    bpsi1_ref, wpsi2_ref, bpsi2_ref, i0_ref, i1_ref,
                    nobj_ref, nrel_ref, score_ref, slot_ref, vmask_ref)


def _dense_tail(aphi_ref, apsi_ref, bphi1_ref, wphi2_ref, bphi2_ref,
                bpsi1_ref, wpsi2_ref, bpsi2_ref, i0_ref, i1_ref,
                nobj_ref, nrel_ref, score_ref, slot_ref, vmask_ref):
    f32 = jnp.float32
    h = jnp.maximum(aphi_ref[...] + bphi1_ref[...], 0.0)
    phi = jnp.dot(h, wphi2_ref[...]) + bphi2_ref[...]
    h = jnp.maximum(apsi_ref[...] + bpsi1_ref[...], 0.0)
    psi = jnp.dot(h, wpsi2_ref[...]) + bpsi2_ref[...]

    row_i = lax.broadcasted_iota(jnp.int32, (_N, _N), 0)
    col_j = lax.broadcasted_iota(jnp.int32, (_N, _N), 1)
    upper = (row_i <= col_j).astype(f32)
    lows = (col_j < row_i).astype(f32)
    it_node = lax.broadcasted_iota(jnp.int32, (_N, _MAXP), 0)
    it_pair = lax.broadcasted_iota(jnp.int32, (_N, _MAXP), 1)
    iota_s = lax.broadcasted_iota(jnp.int32, (1, _SLOTP), 1).astype(f32)
    dn = (((1,), (1,)), ((), ()))

    for b in range(_B):
        phib = phi[b * _N:(b + 1) * _N]
        psib = psi[b * _N:(b + 1) * _N]
        score = jax.nn.sigmoid(lax.dot_general(phib, psib, dn))
        score_ref[b] = score
        nobj = nobj_ref[b]
        nrel = nrel_ref[b]
        adj = (score > 0.5) & (row_i < nobj) & (col_j < nobj)
        i0b = jnp.broadcast_to(i0_ref[b:b + 1, :], (_N, _MAXP))
        i1b = jnp.broadcast_to(i1_ref[b:b + 1, :], (_N, _MAXP))
        pvalid = it_pair < nrel
        m0 = (it_node == i0b)
        m1 = (it_node == i1b)
        fa = lax.dot_general((m0 & pvalid).astype(f32), m1.astype(f32), dn)
        fb = lax.dot_general((m1 & pvalid).astype(f32), m0.astype(f32), dn)
        adjf = jnp.where(adj | (fa + fb > 0.5), 1.0, 0.0).astype(f32)
        rowcum = jnp.dot(adjf, upper)
        rowtot = rowcum[:, _N - 1:_N]
        prefix = jnp.dot(lows, rowtot)
        rank = prefix + rowcum - 1.0
        validf = (adjf > 0.5) & (rank < float(_MAXE))
        slot_ref[b] = jnp.where(validf, rank, float(_MAXE)).astype(jnp.int32)
        total = jnp.sum(adjf)
        vmask_ref[b:b + 1, :] = (iota_s < total).astype(f32)


def _rel_body(g_ref, wrel_ref, brel_ref, vmask_ref, out_ref):
    out_ref[...] = (jnp.dot(g_ref[...], wrel_ref[...]) + brel_ref[...]) * vmask_ref[...]


@functools.cache
def _sc_gather_fn(nscenes, scene0):
    mesh = plsc.VectorSubcoreMesh(core_axis_name="c", subcore_axis_name="s",
                                  num_cores=2, num_subcores=16)
    wps = _NW // nscenes
    rpw = _SLOTP // wps

    @functools.partial(
        pl.kernel,
        out_type=jax.ShapeDtypeStruct((nscenes * _SLOTP, _DE), jnp.float32),
        mesh=mesh,
        scratch_types=[
            pltpu.VMEM((_NN,), jnp.int32),
            pltpu.VMEM((_SLOTP,), jnp.int32),
            pltpu.VMEM((rpw,), jnp.int32),
            pltpu.VMEM((rpw, _DE), jnp.float32),
            pltpu.SemaphoreType.DMA,
        ],
        compiler_params=pltpu.CompilerParams(needs_layout_passes=False),
    )
    def sc_gather(slot_hbm, table_hbm, out_hbm, slot_v, eidx_v, idx_v, rows_v, sem):
        wid = lax.axis_index("s") * 2 + lax.axis_index("c")
        scene = wid // wps
        sub = wid % wps
        pltpu.sync_copy(slot_hbm.at[scene0 + scene], slot_v)
        zero = jnp.zeros((_L,), jnp.int32)
        for k in range(_SLOTP // _L):
            eidx_v[pl.ds(k * _L, _L)] = zero
        lane = lax.iota(jnp.int32, _L)

        def scat(e, carry):
            base = e * _L
            chunk = slot_v[pl.ds(base, _L)]
            plsc.store_scatter(eidx_v, [chunk], lane + base)
            return carry

        lax.fori_loop(0, _NN // _L, scat, 0)
        off = jnp.full((_L,), (scene0 + scene) * _NN, jnp.int32)
        base = sub * rpw
        for k in range(rpw // _L):
            idx_v[pl.ds(k * _L, _L)] = eidx_v[pl.ds(base + k * _L, _L)] + off
        pltpu.async_copy(table_hbm.at[idx_v], rows_v, sem).wait()
        pltpu.sync_copy(rows_v, out_hbm.at[pl.ds(scene * _SLOTP + base, rpw)])

    return sc_gather


def kernel(concatenated_node_features, interaction_feature, num_obj, num_relation,
           object_pairs, Wphi1, bphi1, Wphi2, bphi2, Wpsi1, bpsi1, Wpsi2, bpsi2,
           Wobj, bobj, Wrel, brel):
    f32 = jnp.float32
    x = concatenated_node_features.reshape(_B * _N, _DN)
    i0 = object_pairs[..., 0].astype(jnp.int32)
    i1 = object_pairs[..., 1].astype(jnp.int32)
    nobj = num_obj.astype(jnp.int32)
    nrel = num_relation.astype(jnp.int32)

    smem = pl.BlockSpec(memory_space=pltpu.SMEM)
    full = lambda shape: pl.BlockSpec(shape, lambda k: (0,) * len(shape))
    score, slot, vmask, nemb = pl.pallas_call(
        _dense_body,
        grid=(_KSTEPS,),
        in_specs=[
            pl.BlockSpec((_B * _N, _KC), lambda k: (0, k)),
            pl.BlockSpec((_KC, _H1), lambda k: (k, 0)),
            full((1, _H1)), full((_H1, _H2)), full((1, _H2)),
            pl.BlockSpec((_KC, _H1), lambda k: (k, 0)),
            full((1, _H1)), full((_H1, _H2)), full((1, _H2)),
            pl.BlockSpec((_KC, _DOUT), lambda k: (k, 0)),
            full((1, _DOUT)),
            full((_B, _MAXP)), full((_B, _MAXP)),
            smem, smem,
        ],
        out_specs=[
            full((_B, _N, _N)), full((_B, _N, _N)), full((_B, _SLOTP)),
            full((_B * _N, _DOUT)),
        ],
        out_shape=[
            jax.ShapeDtypeStruct((_B, _N, _N), f32),
            jax.ShapeDtypeStruct((_B, _N, _N), jnp.int32),
            jax.ShapeDtypeStruct((_B, _SLOTP), f32),
            jax.ShapeDtypeStruct((_B * _N, _DOUT), f32),
        ],
        scratch_shapes=[pltpu.VMEM((_B * _N, _H1), f32)] * 2,
        compiler_params=pltpu.CompilerParams(
            dimension_semantics=("arbitrary",)),
    )(x, Wphi1, bphi1.reshape(1, _H1), Wphi2, bphi2.reshape(1, _H2),
      Wpsi1, bpsi1.reshape(1, _H1), Wpsi2, bpsi2.reshape(1, _H2),
      Wobj, bobj.reshape(1, _DOUT), i0, i1, nobj, nrel)

    table = interaction_feature.reshape(_B * _NN, _DE)
    slot_flat = slot.reshape(_B, _NN)
    vmask_col = vmask.reshape(_B * _SLOTP, 1)
    brel2 = brel.reshape(1, _DOUT)

    _MROWS = 256
    gathered = _sc_gather_fn(_B, 0)(slot_flat, table)
    rel = pl.pallas_call(
        _rel_body,
        grid=(_B * _SLOTP // _MROWS,),
        in_specs=[
            pl.BlockSpec((_MROWS, _DE), lambda m: (m, 0)),
            full((_DE, _DOUT)),
            full((1, _DOUT)),
            pl.BlockSpec((_MROWS, 1), lambda m: (m, 0)),
        ],
        out_specs=pl.BlockSpec((_MROWS, _DOUT), lambda m: (m, 0)),
        out_shape=jax.ShapeDtypeStruct((_B * _SLOTP, _DOUT), f32),
        compiler_params=pltpu.CompilerParams(
            dimension_semantics=("arbitrary",)),
    )(gathered, Wrel, brel2, vmask_col)

    rel_padded = rel.reshape(_B, _SLOTP, _DOUT)[:, :_MAXE]
    return score, nemb.reshape(_B, _N, _DOUT), rel_padded

# --- scband reference (transcript-rebuilt; emitter-appended) ---
"""Pipeline reference for scband-graph-rcnn-84610855731242 (READ-ONLY COPY).

The authoritative reference and input builder live on the scoring server;
editing this copy changes nothing except your own understanding.
"""

import jax, jax.numpy as jnp
import numpy as np

B, N, DN, DE, H1, H2, DOUT, MAXP, MAXE = 8, 64, 2048, 1024, 512, 256, 512, 32, 172


def setup_inputs(seed: int = 0) -> dict:
    key = jax.random.key(seed)
    ks = jax.random.split(key, 12)
    sc = 0.02
    inp = {}
    inp['concatenated_node_features'] = jax.random.normal(ks[0], (B, N, DN), dtype=jnp.float32)
    inp['interaction_feature'] = jax.random.normal(ks[1], (B, N, N, DE), dtype=jnp.float32)
    inp['num_obj'] = jax.random.randint(ks[2], (B,), 1, N + 1)
    inp['num_relation'] = jax.random.randint(ks[3], (B,), 1, MAXP + 1)
    inp['object_pairs'] = jax.random.randint(ks[4], (B, MAXP, 2), 0, N)
    inp['Wphi1'] = jax.random.normal(ks[5], (DN, H1), dtype=jnp.float32) * sc
    inp['bphi1'] = jnp.zeros((H1,), dtype=jnp.float32)
    inp['Wphi2'] = jax.random.normal(ks[6], (H1, H2), dtype=jnp.float32) * sc
    inp['bphi2'] = jnp.zeros((H2,), dtype=jnp.float32)
    inp['Wpsi1'] = jax.random.normal(ks[7], (DN, H1), dtype=jnp.float32) * sc
    inp['bpsi1'] = jnp.zeros((H1,), dtype=jnp.float32)
    inp['Wpsi2'] = jax.random.normal(ks[8], (H1, H2), dtype=jnp.float32) * sc
    inp['bpsi2'] = jnp.zeros((H2,), dtype=jnp.float32)
    inp['Wobj'] = jax.random.normal(ks[9], (DN, DOUT), dtype=jnp.float32) * sc
    inp['bobj'] = jnp.zeros((DOUT,), dtype=jnp.float32)
    inp['Wrel'] = jax.random.normal(ks[10], (DE, DOUT), dtype=jnp.float32) * sc
    inp['brel'] = jnp.zeros((DOUT,), dtype=jnp.float32)
    return inp


def _mlp2(x, W1, b1, W2, b2):
    return jnp.maximum(x @ W1 + b1, 0.0) @ W2 + b2


def _extract_edges(score, num_obj, num_relation, object_pairs):
    # relationship-proposal thresholding + forced GT pairs (as in the torch code),
    # producing fixed-shape per-candidate slot indices, capped at MAXE per scene.
    adj = score > 0.5
    row_ok = jnp.arange(N)[None, :] < num_obj[:, None]
    adj = adj & row_ok[:, :, None] & row_ok[:, None, :]
    pair_valid = (jnp.arange(MAXP)[None, :] < num_relation[:, None]).astype(jnp.int32)
    bidx = jnp.broadcast_to(jnp.arange(B)[:, None], (B, MAXP))
    i0 = object_pairs[..., 0]
    i1 = object_pairs[..., 1]
    forced = jnp.zeros((B, N, N), dtype=jnp.int32)
    forced = forced.at[bidx, i0, i1].max(pair_valid)
    forced = forced.at[bidx, i1, i0].max(pair_valid)
    adj = adj | (forced > 0)
    flat = adj.reshape(B, N * N)
    rank = jnp.cumsum(flat.astype(jnp.int32), axis=1) - 1
    valid = flat & (rank < MAXE)
    slot = jnp.where(valid, rank, MAXE)
    return slot


def reference(concatenated_node_features, interaction_feature, num_obj, num_relation, object_pairs, Wphi1, bphi1, Wphi2, bphi2, Wpsi1, bpsi1, Wpsi2, bpsi2, Wobj, bobj, Wrel, brel):
    phi = _mlp2(concatenated_node_features, Wphi1, bphi1, Wphi2, bphi2)
    psi = _mlp2(concatenated_node_features, Wpsi1, bpsi1, Wpsi2, bpsi2)
    score = jax.nn.sigmoid(jnp.einsum('bik,bjk->bij', phi, psi))
    slot = _extract_edges(score, num_obj, num_relation, object_pairs)
    # object node embedder
    node_emb = concatenated_node_features @ Wobj + bobj
    # gather per-edge interaction features and embed as relationship nodes
    flat_if = interaction_feature.reshape(B, N * N, DE)
    rel_all = flat_if @ Wrel + brel
    buf = jnp.zeros((B, MAXE + 1, DOUT), dtype=jnp.float32)
    buf = buf.at[jnp.arange(B)[:, None], slot].set(rel_all)
    rel_padded = buf[:, :MAXE]
    return (score, node_emb, rel_padded)

if __name__ == "__main__":
    import jax
    _d = setup_inputs()
    print(jax.jit(kernel)(*tuple(_d.values())))

</pallas_src>

<mosaic_0001>
#map = affine_map<(d0, d1) -> (0, 0)>
module attributes {stable_mosaic.version = 14 : i64} {
  func.func @sc_gather(%arg0: i32, %arg1: i32, %arg2: memref<8x4096xi32, #tpu.memory_space<hbm>>, %arg3: memref<32768x1024xf32, #tpu.memory_space<hbm>>, %arg4: memref<1536x1024xf32, #tpu.memory_space<hbm>>, %arg5: memref<4096xi32, #tpu.memory_space<vmem>>, %arg6: memref<192xi32, #tpu.memory_space<vmem>>, %arg7: memref<48xi32, #tpu.memory_space<vmem>>, %arg8: memref<48x1024xf32, #tpu.memory_space<vmem>>, %arg9: memref<!tpu.dma_semaphore, #tpu.memory_space<semaphore_mem>>) attributes {dimension_semantics = [#tpu.dimension_semantics<core_parallel>, #tpu.dimension_semantics<subcore_parallel>], iteration_bounds = array<i64: 2, 16>, scalar_prefetch = 0 : i64, scratch_operands = 5 : i64, tpu.core_type = #tpu.core_type<sc_vector_subcore>, window_params = [{transform_indices = #map}, {transform_indices = #map}, {transform_indices = #map}]} {
    %mul3A = arith.constant 2 : i32
    %mul3A_0 = arith.muli %arg1, %mul3A : i32
    %add3A = arith.addi %mul3A_0, %arg0 : i32
    %jit3A = arith.constant 4 : i32
    %div3A = arith.divsi %add3A, %jit3A : i32
    %sign3A = arith.constant 0 : i32
    %sign3A_1 = arith.cmpi sgt, %add3A, %sign3A : i32
    %sign3A_2 = arith.extui %sign3A_1 : i1 to i32
    %sign3A_3 = arith.constant 0 : i32
    %sign3A_4 = arith.cmpi slt, %add3A, %sign3A_3 : i32
    %sign3A_5 = arith.extui %sign3A_4 : i1 to i32
    %sign3A_6 = arith.subi %sign3A_2, %sign3A_5 : i32
    %sign3A_7 = arith.constant 0 : i32
    %sign3A_8 = arith.cmpi sgt, %jit3A, %sign3A_7 : i32
    %sign3A_9 = arith.extui %sign3A_8 : i1 to i32
    %sign3A_10 = arith.constant 0 : i32
    %sign3A_11 = arith.cmpi slt, %jit3A, %sign3A_10 : i32
    %sign3A_12 = arith.extui %sign3A_11 : i1 to i32
    %sign3A_13 = arith.subi %sign3A_9, %sign3A_12 : i32
    %ne3A = arith.cmpi ne, %sign3A_6, %sign3A_13 : i32
    %rem3A = arith.remsi %add3A, %jit3A : i32
    %ne3A_14 = arith.constant 0 : i32
    %ne3A_15 = arith.cmpi ne, %rem3A, %ne3A_14 : i32
    %and3A = arith.andi %ne3A, %ne3A_15 : i1
    %sub3A = arith.constant 1 : i32
    %sub3A_16 = arith.subi %div3A, %sub3A : i32
    %select_n3A = arith.select %and3A, %sub3A_16, %div3A : i32
    %jit3A_17 = arith.constant 4 : i32
    %eq3A = arith.constant 0 : i32
    %eq3A_18 = arith.cmpi eq, %jit3A_17, %eq3A : i32
    %jit3A_19 = arith.constant 1 : i32
    %select_n3A_20 = arith.select %eq3A_18, %jit3A_19, %jit3A_17 : i32
    %rem3A_21 = arith.remsi %add3A, %select_n3A_20 : i32
    %ne3A_22 = arith.constant 0 : i32
    %ne3A_23 = arith.cmpi ne, %rem3A_21, %ne3A_22 : i32
    %lt3A = arith.constant 0 : i32
    %lt3A_24 = arith.cmpi slt, %rem3A_21, %lt3A : i32
    %lt3A_25 = arith.constant 0 : i32
    %lt3A_26 = arith.cmpi slt, %select_n3A_20, %lt3A_25 : i32
    %ne3A_27 = arith.xori %lt3A_24, %lt3A_26 : i1
    %and3A_28 = arith.andi %ne3A_27, %ne3A_23 : i1
    %add3A_29 = arith.addi %rem3A_21, %select_n3A_20 : i32
    %select_n3A_30 = arith.select %and3A_28, %add3A_29, %rem3A_21 : i32
    %add3A_31 = arith.constant 0 : i32
    %add3A_32 = arith.addi %add3A_31, %select_n3A : i32
    "tpu.region"() ({
      %run_scoped3A = tpu.sem_alloc : memref<!tpu.dma_semaphore, #tpu.memory_space<semaphore_mem>>
      %dma_start3A_96 = arith.constant 0 : i32
      %dma_start3A_97 = tpu.memref_slice %arg2[%add3A_32, %dma_start3A_96] : memref<8x4096xi32, #tpu.memory_space<hbm>> -> memref<1x4096xi32, #tpu.memory_space<hbm>>
      %dma_start3A_98 = tpu.memref_squeeze %dma_start3A_97 : memref<1x4096xi32, #tpu.memory_space<hbm>> -> memref<4096xi32, #tpu.memory_space<hbm>>
      %dma_start3A_99 = arith.constant 0 : i32
      %dma_start3A_100 = tpu.memref_slice %arg2[%add3A_32, %dma_start3A_99] : memref<8x4096xi32, #tpu.memory_space<hbm>> -> memref<1x4096xi32, #tpu.memory_space<hbm>>
      %dma_start3A_101 = tpu.memref_squeeze %dma_start3A_100 : memref<1x4096xi32, #tpu.memory_space<hbm>> -> memref<4096xi32, #tpu.memory_space<hbm>>
      tpu.enqueue_dma source(%dma_start3A_101 : memref<4096xi32, #tpu.memory_space<hbm>>) target(%arg5 : memref<4096xi32, #tpu.memory_space<vmem>>) target_semaphore(%run_scoped3A : memref<!tpu.dma_semaphore, #tpu.memory_space<semaphore_mem>>)
      %dma_wait3A_102 = arith.constant 0 : i32
      %dma_wait3A_103 = tpu.memref_slice %arg2[%add3A_32, %dma_wait3A_102] : memref<8x4096xi32, #tpu.memory_space<hbm>> -> memref<1x4096xi32, #tpu.memory_space<hbm>>
      %dma_wait3A_104 = tpu.memref_squeeze %dma_wait3A_103 : memref<1x4096xi32, #tpu.memory_space<hbm>> -> memref<4096xi32, #tpu.memory_space<hbm>>
      %dma_wait3A_105 = arith.constant 0 : i32
      %dma_wait3A_106 = tpu.memref_slice %arg2[%add3A_32, %dma_wait3A_105] : memref<8x4096xi32, #tpu.memory_space<hbm>> -> memref<1x4096xi32, #tpu.memory_space<hbm>>
      %dma_wait3A_107 = tpu.memref_squeeze %dma_wait3A_106 : memref<1x4096xi32, #tpu.memory_space<hbm>> -> memref<4096xi32, #tpu.memory_space<hbm>>
      tpu.wait_dma2 semaphore(%run_scoped3A : memref<!tpu.dma_semaphore, #tpu.memory_space<semaphore_mem>>) src(%dma_wait3A_107 : memref<4096xi32, #tpu.memory_space<hbm>>) dst(%arg5 : memref<4096xi32, #tpu.memory_space<vmem>>)
      tpu.yield
    }) : () -> ()
    %broadcast_in_dim3A = arith.constant 0 : i32
    %broadcast_in_dim3A_33 = vector.broadcast %broadcast_in_dim3A : i32 to vector<16xi32>
    %swap3A = arith.constant 0 : index
    %swap3A_34 = tpu.vector_load %arg6[%swap3A] {strides = array<i32>} : memref<192xi32, #tpu.memory_space<vmem>>, vector<16xi32>,
    tpu.vector_store %arg6[%swap3A], %broadcast_in_dim3A_33 {strides = array<i32>} : memref<192xi32, #tpu.memory_space<vmem>>, vector<16xi32>,
    %swap3A_35 = arith.constant 16 : index
    %swap3A_36 = tpu.vector_load %arg6[%swap3A_35] {strides = array<i32>} : memref<192xi32, #tpu.memory_space<vmem>>, vector<16xi32>,
    tpu.vector_store %arg6[%swap3A_35], %broadcast_in_dim3A_33 {strides = array<i32>} : memref<192xi32, #tpu.memory_space<vmem>>, vector<16xi32>,
    %swap3A_37 = arith.constant 32 : index
    %swap3A_38 = tpu.vector_load %arg6[%swap3A_37] {strides = array<i32>} : memref<192xi32, #tpu.memory_space<vmem>>, vector<16xi32>,
    tpu.vector_store %arg6[%swap3A_37], %broadcast_in_dim3A_33 {strides = array<i32>} : memref<192xi32, #tpu.memory_space<vmem>>, vector<16xi32>,
    %swap3A_39 = arith.constant 48 : index
    %swap3A_40 = tpu.vector_load %arg6[%swap3A_39] {strides = array<i32>} : memref<192xi32, #tpu.memory_space<vmem>>, vector<16xi32>,
    tpu.vector_store %arg6[%swap3A_39], %broadcast_in_dim3A_33 {strides = array<i32>} : memref<192xi32, #tpu.memory_space<vmem>>, vector<16xi32>,
    %swap3A_41 = arith.constant 64 : index
    %swap3A_42 = tpu.vector_load %arg6[%swap3A_41] {strides = array<i32>} : memref<192xi32, #tpu.memory_space<vmem>>, vector<16xi32>,
    tpu.vector_store %arg6[%swap3A_41], %broadcast_in_dim3A_33 {strides = array<i32>} : memref<192xi32, #tpu.memory_space<vmem>>, vector<16xi32>,
    %swap3A_43 = arith.constant 80 : index
    %swap3A_44 = tpu.vector_load %arg6[%swap3A_43] {strides = array<i32>} : memref<192xi32, #tpu.memory_space<vmem>>, vector<16xi32>,
    tpu.vector_store %arg6[%swap3A_43], %broadcast_in_dim3A_33 {strides = array<i32>} : memref<192xi32, #tpu.memory_space<vmem>>, vector<16xi32>,
    %swap3A_45 = arith.constant 96 : index
    %swap3A_46 = tpu.vector_load %arg6[%swap3A_45] {strides = array<i32>} : memref<192xi32, #tpu.memory_space<vmem>>, vector<16xi32>,
    tpu.vector_store %arg6[%swap3A_45], %broadcast_in_dim3A_33 {strides = array<i32>} : memref<192xi32, #tpu.memory_space<vmem>>, vector<16xi32>,
    %swap3A_47 = arith.constant 112 : index
    %swap3A_48 = tpu.vector_load %arg6[%swap3A_47] {strides = array<i32>} : memref<192xi32, #tpu.memory_space<vmem>>, vector<16xi32>,
    tpu.vector_store %arg6[%swap3A_47], %broadcast_in_dim3A_33 {strides = array<i32>} : memref<192xi32, #tpu.memory_space<vmem>>, vector<16xi32>,
    %swap3A_49 = arith.constant 128 : index
    %swap3A_50 = tpu.vector_load %arg6[%swap3A_49] {strides = array<i32>} : memref<192xi32, #tpu.memory_space<vmem>>, vector<16xi32>,
    tpu.vector_store %arg6[%swap3A_49], %broadcast_in_dim3A_33 {strides = array<i32>} : memref<192xi32, #tpu.memory_space<vmem>>, vector<16xi32>,
    %swap3A_51 = arith.constant 144 : index
    %swap3A_52 = tpu.vector_load %arg6[%swap3A_51] {strides = array<i32>} : memref<192xi32, #tpu.memory_space<vmem>>, vector<16xi32>,
    tpu.vector_store %arg6[%swap3A_51], %broadcast_in_dim3A_33 {strides = array<i32>} : memref<192xi32, #tpu.memory_space<vmem>>, vector<16xi32>,
    %swap3A_53 = arith.constant 160 : index
    %swap3A_54 = tpu.vector_load %arg6[%swap3A_53] {strides = array<i32>} : memref<192xi32, #tpu.memory_space<vmem>>, vector<16xi32>,
    tpu.vector_store %arg6[%swap3A_53], %broadcast_in_dim3A_33 {strides = array<i32>} : memref<192xi32, #tpu.memory_space<vmem>>, vector<16xi32>,
    %swap3A_55 = arith.constant 176 : index
    %swap3A_56 = tpu.vector_load %arg6[%swap3A_55] {strides = array<i32>} : memref<192xi32, #tpu.memory_space<vmem>>, vector<16xi32>,
    tpu.vector_store %arg6[%swap3A_55], %broadcast_in_dim3A_33 {strides = array<i32>} : memref<192xi32, #tpu.memory_space<vmem>>, vector<16xi32>,
    %iota3A = tpu.iota {dimensions = array<i32: 0>} : vector<16xi32>
    %scan3A = arith.constant 0 : i32
    %scan3A_57 = arith.constant 0 : i32
    %scan3A_58 = arith.constant 256 : i32
    %scan3A_59 = arith.addi %scan3A_57, %scan3A_58 : i32
    %scan3A_60 = arith.constant 1 : i32
    scf.for %scan3A_96 = %scan3A_57 to %scan3A_59 step %scan3A_60  : i32 {
      %mul3A_97 = arith.constant 16 : i32
      %mul3A_98 = arith.muli %scan3A_96, %mul3A_97 : i32
      %get3A_99 = arith.index_cast %mul3A_98 : i32 to index
      %get3A_100 = tpu.vector_load %arg5[%get3A_99] {strides = array<i32>} : memref<4096xi32, #tpu.memory_space<vmem>>, vector<16xi32>,
      %add3A_101 = vector.broadcast %mul3A_98 : i32 to vector<16xi32>
      %add3A_102 = arith.addi %iota3A, %add3A_101 : vector<16xi32>
      tpu.vector_store_idx %arg6[%get3A_100], %add3A_102 : memref<192xi32, #tpu.memory_space<vmem>>[vector<16xi32>], vector<16xi32>,
    }
    %scan3A_61 = arith.constant 256 : i32
    %add3A_62 = arith.constant 0 : i32
    %add3A_63 = arith.addi %add3A_62, %select_n3A : i32
    %mul3A_64 = arith.constant 4096 : i32
    %mul3A_65 = arith.muli %add3A_63, %mul3A_64 : i32
    %broadcast_in_dim3A_66 = vector.broadcast %mul3A_65 : i32 to vector<16xi32>
    %mul3A_67 = arith.constant 48 : i32
    %mul3A_68 = arith.muli %select_n3A_30, %mul3A_67 : i32
    %add3A_69 = arith.constant 0 : i32
    %add3A_70 = arith.addi %mul3A_68, %add3A_69 : i32
    %get3A = arith.index_cast %add3A_70 : i32 to index
    %get3A_71 = tpu.vector_load %arg6[%get3A] {strides = array<i32>} : memref<192xi32, #tpu.memory_space<vmem>>, vector<16xi32>,
    %add3A_72 = arith.addi %get3A_71, %broadcast_in_dim3A_66 : vector<16xi32>
    %swap3A_73 = arith.constant 0 : index
    %swap3A_74 = tpu.vector_load %arg7[%swap3A_73] {strides = array<i32>} : memref<48xi32, #tpu.memory_space<vmem>>, vector<16xi32>,
    tpu.vector_store %arg7[%swap3A_73], %add3A_72 {strides = array<i32>} : memref<48xi32, #tpu.memory_space<vmem>>, vector<16xi32>,
    %add3A_75 = arith.constant 16 : i32
    %add3A_76 = arith.addi %mul3A_68, %add3A_75 : i32
    %get3A_77 = arith.index_cast %add3A_76 : i32 to index
    %get3A_78 = tpu.vector_load %arg6[%get3A_77] {strides = array<i32>} : memref<192xi32, #tpu.memory_space<vmem>>, vector<16xi32>,
    %add3A_79 = arith.addi %get3A_78, %broadcast_in_dim3A_66 : vector<16xi32>
    %swap3A_80 = arith.constant 16 : index
    %swap3A_81 = tpu.vector_load %arg7[%swap3A_80] {strides = array<i32>} : memref<48xi32, #tpu.memory_space<vmem>>, vector<16xi32>,
    tpu.vector_store %arg7[%swap3A_80], %add3A_79 {strides = array<i32>} : memref<48xi32, #tpu.memory_space<vmem>>, vector<16xi32>,
    %add3A_82 = arith.constant 32 : i32
    %add3A_83 = arith.addi %mul3A_68, %add3A_82 : i32
    %get3A_84 = arith.index_cast %add3A_83 : i32 to index
    %get3A_85 = tpu.vector_load %arg6[%get3A_84] {strides = array<i32>} : memref<192xi32, #tpu.memory_space<vmem>>, vector<16xi32>,
    %add3A_86 = arith.addi %get3A_85, %broadcast_in_dim3A_66 : vector<16xi32>
    %swap3A_87 = arith.constant 32 : index
    %swap3A_88 = tpu.vector_load %arg7[%swap3A_87] {strides = array<i32>} : memref<48xi32, #tpu.memory_space<vmem>>, vector<16xi32>,
    tpu.vector_store %arg7[%swap3A_87], %add3A_86 {strides = array<i32>} : memref<48xi32, #tpu.memory_space<vmem>>, vector<16xi32>,
    %dma_start3A = arith.constant 0 : i32
    %dma_start3A_89 = arith.constant 0 : i32
    %dma_start3A_90 = tpu.memref_slice %arg3[%dma_start3A, %dma_start3A_89] : memref<32768x1024xf32, #tpu.memory_space<hbm>> -> memref<32768x1024xf32, #tpu.memory_space<hbm>>
    tpu.enqueue_indirect_dma source(%dma_start3A_90 : memref<32768x1024xf32, #tpu.memory_space<hbm>>) target(%arg8 : memref<48x1024xf32, #tpu.memory_space<vmem>>) offsets(%arg7 : memref<48xi32, #tpu.memory_space<vmem>>) semaphore(%arg9 : memref<!tpu.dma_semaphore, #tpu.memory_space<semaphore_mem>>)
    %dma_wait3A = arith.constant 0 : i32
    %dma_wait3A_91 = arith.constant 0 : i32
    %dma_wait3A_92 = tpu.memref_slice %arg3[%dma_wait3A, %dma_wait3A_91] : memref<32768x1024xf32, #tpu.memory_space<hbm>> -> memref<32768x1024xf32, #tpu.memory_space<hbm>>
    tpu.wait_indirect_dma semaphore(%arg9 : memref<!tpu.dma_semaphore, #tpu.memory_space<semaphore_mem>>) src(%dma_wait3A_92 : memref<32768x1024xf32, #tpu.memory_space<hbm>>) dst(%arg8 : memref<48x1024xf32, #tpu.memory_space<vmem>>)
    %mul3A_93 = arith.constant 192 : i32
    %mul3A_94 = arith.muli %select_n3A, %mul3A_93 : i32
    %add3A_95 = arith.addi %mul3A_94, %mul3A_68 : i32
    "tpu.region"() ({
      %run_scoped3A = tpu.sem_alloc : memref<!tpu.dma_semaphore, #tpu.memory_space<semaphore_mem>>
      %dma_start3A_96 = arith.constant 0 : i32
      %dma_start3A_97 = tpu.memref_slice %arg4[%add3A_95, %dma_start3A_96] : memref<1536x1024xf32, #tpu.memory_space<hbm>> -> memref<48x1024xf32, #tpu.memory_space<hbm>>
      %dma_start3A_98 = arith.constant 0 : i32
      %dma_start3A_99 = tpu.memref_slice %arg4[%add3A_95, %dma_start3A_98] : memref<1536x1024xf32, #tpu.memory_space<hbm>> -> memref<48x1024xf32, #tpu.memory_space<hbm>>
      tpu.enqueue_dma source(%arg8 : memref<48x1024xf32, #tpu.memory_space<vmem>>) target(%dma_start3A_99 : memref<48x1024xf32, #tpu.memory_space<hbm>>) target_semaphore(%run_scoped3A : memref<!tpu.dma_semaphore, #tpu.memory_space<semaphore_mem>>)
      %dma_wait3A_100 = arith.constant 0 : i32
      %dma_wait3A_101 = tpu.memref_slice %arg4[%add3A_95, %dma_wait3A_100] : memref<1536x1024xf32, #tpu.memory_space<hbm>> -> memref<48x1024xf32, #tpu.memory_space<hbm>>
      %dma_wait3A_102 = arith.constant 0 : i32
      %dma_wait3A_103 = tpu.memref_slice %arg4[%add3A_95, %dma_wait3A_102] : memref<1536x1024xf32, #tpu.memory_space<hbm>> -> memref<48x1024xf32, #tpu.memory_space<hbm>>
      tpu.wait_dma2 semaphore(%run_scoped3A : memref<!tpu.dma_semaphore, #tpu.memory_space<semaphore_mem>>) src(%arg8 : memref<48x1024xf32, #tpu.memory_space<vmem>>) dst(%dma_wait3A_103 : memref<48x1024xf32, #tpu.memory_space<hbm>>)
      tpu.yield
    }) : () -> ()
    return
  }
}

module attributes {stable_mosaic.version = 14 : i64} {
  func.func @_dense_body(%arg0: i32, %arg1: memref<512x512xf32, #tpu.memory_space<vmem>>, %arg2: memref<512x512xf32, #tpu.memory_space<vmem>>, %arg3: memref<1x512xf32, #tpu.memory_space<vmem>>, %arg4: memref<512x256xf32, #tpu.memory_space<vmem>>, %arg5: memref<1x256xf32, #tpu.memory_space<vmem>>, %arg6: memref<512x512xf32, #tpu.memory_space<vmem>>, %arg7: memref<1x512xf32, #tpu.memory_space<vmem>>, %arg8: memref<512x256xf32, #tpu.memory_space<vmem>>, %arg9: memref<1x256xf32, #tpu.memory_space<vmem>>, %arg10: memref<512x512xf32, #tpu.memory_space<vmem>>, %arg11: memref<1x512xf32, #tpu.memory_space<vmem>>, %arg12: memref<8x32xi32, #tpu.memory_space<vmem>>, %arg13: memref<8x32xi32, #tpu.memory_space<vmem>>, %arg14: memref<8xi32, #tpu.memory_space<smem>>, %arg15: memref<8xi32, #tpu.memory_space<smem>>, %arg16: memref<8x64x64xf32, #tpu.memory_space<vmem>>, %arg17: memref<8x64x64xi32, #tpu.memory_space<vmem>>, %arg18: memref<8x192xf32, #tpu.memory_space<vmem>>, %arg19: memref<512x512xf32, #tpu.memory_space<vmem>>, %arg20: memref<512x512xf32, #tpu.memory_space<vmem>>, %arg21: memref<512x512xf32, #tpu.memory_space<vmem>>) attributes {dimension_semantics = [#tpu.dimension_semantics<arbitrary>], iteration_bounds = array<i64: 4>, scalar_prefetch = 0 : i64, scratch_operands = 2 : i64, tpu.core_type = #tpu.core_type<tc>, window_params = [{transform_indices = @transform_0, window_bounds = array<i64: 512, 512>}, {transform_indices = @transform_1, window_bounds = array<i64: 512, 512>}, {pipeline_mode = #tpu.pipeline_mode<synchronous>, transform_indices = @transform_2, window_bounds = array<i64: 1, 512>}, {pipeline_mode = #tpu.pipeline_mode<synchronous>, transform_indices = @transform_3, window_bounds = array<i64: 512, 256>}, {pipeline_mode = #tpu.pipeline_mode<synchronous>, transform_indices = @transform_4, window_bounds = array<i64: 1, 256>}, {transform_indices = @transform_5, window_bounds = array<i64: 512, 512>}, {pipeline_mode = #tpu.pipeline_mode<synchronous>, transform_indices = @transform_6, window_bounds = array<i64: 1, 512>}, {pipeline_mode = #tpu.pipeline_mode<synchronous>, transform_indices = @transform_7, window_bounds = array<i64: 512, 256>}, {pipeline_mode = #tpu.pipeline_mode<synchronous>, transform_indices = @transform_8, window_bounds = array<i64: 1, 256>}, {transform_indices = @transform_9, window_bounds = array<i64: 512, 512>}, {pipeline_mode = #tpu.pipeline_mode<synchronous>, transform_indices = @transform_10, window_bounds = array<i64: 1, 512>}, {pipeline_mode = #tpu.pipeline_mode<synchronous>, transform_indices = @transform_11, window_bounds = array<i64: 8, 32>}, {pipeline_mode = #tpu.pipeline_mode<synchronous>, transform_indices = @transform_12, window_bounds = array<i64: 8, 32>}, {transform_indices = @transform_13, window_bounds = array<i64: 8>}, {transform_indices = @transform_14, window_bounds = array<i64: 8>}, {pipeline_mode = #tpu.pipeline_mode<synchronous>, transform_indices = @transform_15, window_bounds = array<i64: 8, 64, 64>}, {pipeline_mode = #tpu.pipeline_mode<synchronous>, transform_indices = @transform_16, window_bounds = array<i64: 8, 64, 64>}, {pipeline_mode = #tpu.pipeline_mode<synchronous>, transform_indices = @transform_17, window_bounds = array<i64: 8, 192>}, {pipeline_mode = #tpu.pipeline_mode<synchronous>, transform_indices = @transform_18, window_bounds = array<i64: 512, 512>}]} {
    %get3A = arith.constant 0 : index
    %get3A_0 = arith.constant 0 : index
    %get3A_1 = vector.load %arg1[%get3A, %get3A_0] : memref<512x512xf32, #tpu.memory_space<vmem>>, vector<512x512xf32>
    %get3A_2 = arith.constant 0 : index
    %get3A_3 = arith.constant 0 : index
    %get3A_4 = vector.load %arg2[%get3A_2, %get3A_3] : memref<512x512xf32, #tpu.memory_space<vmem>>, vector<512x512xf32>
    %dot_general3A = arith.constant dense<0.000000e+00> : vector<512x512xf32>
    %dot_general3A_5 = tpu.matmul %get3A_1, %get3A_4, %dot_general3A {dimension_numbers = #tpu.dot_dimension_numbers<[1], [0], [0], [1], [0, 0, 1, 1], [], []>, transpose_lhs_hint = false} : vector<512x512xf32>, vector<512x512xf32>, vector<512x512xf32> -> vector<512x512xf32>
    %get3A_6 = arith.constant 0 : index
    %get3A_7 = arith.constant 0 : index
    %get3A_8 = vector.load %arg6[%get3A_6, %get3A_7] : memref<512x512xf32, #tpu.memory_space<vmem>>, vector<512x512xf32>
    %dot_general3A_9 = arith.constant dense<0.000000e+00> : vector<512x512xf32>
    %dot_general3A_10 = tpu.matmul %get3A_1, %get3A_8, %dot_general3A_9 {dimension_numbers = #tpu.dot_dimension_numbers<[1], [0], [0], [1], [0, 0, 1, 1], [], []>, transpose_lhs_hint = false} : vector<512x512xf32>, vector<512x512xf32>, vector<512x512xf32> -> vector<512x512xf32>
    %get3A_11 = arith.constant 0 : index
    %get3A_12 = arith.constant 0 : index
    %get3A_13 = vector.load %arg10[%get3A_11, %get3A_12] : memref<512x512xf32, #tpu.memory_space<vmem>>, vector<512x512xf32>
    %dot_general3A_14 = arith.constant dense<0.000000e+00> : vector<512x512xf32>
    %dot_general3A_15 = tpu.matmul %get3A_1, %get3A_13, %dot_general3A_14 {dimension_numbers = #tpu.dot_dimension_numbers<[1], [0], [0], [1], [0, 0, 1, 1], [], []>, transpose_lhs_hint = false} : vector<512x512xf32>, vector<512x512xf32>, vector<512x512xf32> -> vector<512x512xf32>
    %eq3A = arith.constant 0 : i32
    %eq3A_16 = arith.cmpi eq, %arg0, %eq3A : i32
    %convert_element_type3A = arith.extui %eq3A_16 : i1 to i32
    %cond3A = arith.constant 0 : i32
    %cond3A_17 = arith.cmpi ne, %convert_element_type3A, %cond3A : i32
    scf.if %cond3A_17 {
      %swap3A = arith.constant 0 : index
      %swap3A_27 = arith.constant 0 : index
      %swap3A_28 = vector.load %arg20[%swap3A, %swap3A_27] : memref<512x512xf32, #tpu.memory_space<vmem>>, vector<512x512xf32>
      tpu.vector_store %arg20[%swap3A, %swap3A_27], %dot_general3A_5 {strides = array<i32>} : memref<512x512xf32, #tpu.memory_space<vmem>>, vector<512x512xf32>,
      %swap3A_29 = arith.constant 0 : index
      %swap3A_30 = arith.constant 0 : index
      %swap3A_31 = vector.load %arg21[%swap3A_29, %swap3A_30] : memref<512x512xf32, #tpu.memory_space<vmem>>, vector<512x512xf32>
      tpu.vector_store %arg21[%swap3A_29, %swap3A_30], %dot_general3A_10 {strides = array<i32>} : memref<512x512xf32, #tpu.memory_space<vmem>>, vector<512x512xf32>,
      %swap3A_32 = arith.constant 0 : index
      %swap3A_33 = arith.constant 0 : index
      %swap3A_34 = vector.load %arg19[%swap3A_32, %swap3A_33] : memref<512x512xf32, #tpu.memory_space<vmem>>, vector<512x512xf32>
      tpu.vector_store %arg19[%swap3A_32, %swap3A_33], %dot_general3A_15 {strides = array<i32>} : memref<512x512xf32, #tpu.memory_space<vmem>>, vector<512x512xf32>,
    } else {
    }
    %gt3A = arith.constant 0 : i32
    %gt3A_18 = arith.cmpi sgt, %arg0, %gt3A : i32
    %convert_element_type3A_19 = arith.extui %gt3A_18 : i1 to i32
    %cond3A_20 = arith.constant 0 : i32
    %cond3A_21 = arith.cmpi ne, %convert_element_type3A_19, %cond3A_20 : i32
    scf.if %cond3A_21 {
      %get3A_27 = arith.constant 0 : index
      %get3A_28 = arith.constant 0 : index
      %get3A_29 = vector.load %arg20[%get3A_27, %get3A_28] : memref<512x512xf32, #tpu.memory_space<vmem>>, vector<512x512xf32>
      %add3A = arith.addf %get3A_29, %dot_general3A_5 : vector<512x512xf32>
      %swap3A = arith.constant 0 : index
      %swap3A_30 = arith.constant 0 : index
      %swap3A_31 = vector.load %arg20[%swap3A, %swap3A_30] : memref<512x512xf32, #tpu.memory_space<vmem>>, vector<512x512xf32>
      tpu.vector_store %arg20[%swap3A, %swap3A_30], %add3A {strides = array<i32>} : memref<512x512xf32, #tpu.memory_space<vmem>>, vector<512x512xf32>,
      %get3A_32 = arith.constant 0 : index
      %get3A_33 = arith.constant 0 : index
      %get3A_34 = vector.load %arg21[%get3A_32, %get3A_33] : memref<512x512xf32, #tpu.memory_space<vmem>>, vector<512x512xf32>
      %add3A_35 = arith.addf %get3A_34, %dot_general3A_10 : vector<512x512xf32>
      %swap3A_36 = arith.constant 0 : index
      %swap3A_37 = arith.constant 0 : index
      %swap3A_38 = vector.load %arg21[%swap3A_36, %swap3A_37] : memref<512x512xf32, #tpu.memory_space<vmem>>, vector<512x512xf32>
      tpu.vector_store %arg21[%swap3A_36, %swap3A_37], %add3A_35 {strides = array<i32>} : memref<512x512xf32, #tpu.memory_space<vmem>>, vector<512x512xf32>,
      %get3A_39 = arith.constant 0 : index
      %get3A_40 = arith.constant 0 : index
      %get3A_41 = vector.load %arg19[%get3A_39, %get3A_40] : memref<512x512xf32, #tpu.memory_space<vmem>>, vector<512x512xf32>
      %add3A_42 = arith.addf %get3A_41, %dot_general3A_15 : vector<512x512xf32>
      %swap3A_43 = arith.constant 0 : index
      %swap3A_44 = arith.constant 0 : index
      %swap3A_45 = vector.load %arg19[%swap3A_43, %swap3A_44] : memref<512x512xf32, #tpu.memory_space<vmem>>, vector<512x512xf32>
      tpu.vector_store %arg19[%swap3A_43, %swap3A_44], %add3A_42 {strides = array<i32>} : memref<512x512xf32, #tpu.memory_space<vmem>>, vector<512x512xf32>,
    } else {
    }
    %eq3A_22 = arith.constant 3 : i32
    %eq3A_23 = arith.cmpi eq, %arg0, %eq3A_22 : i32
    %convert_element_type3A_24 = arith.extui %eq3A_23 : i1 to i32
    %cond3A_25 = arith.constant 0 : i32
    %cond3A_26 = arith.cmpi ne, %convert_element_type3A_24, %cond3A_25 : i32
    scf.if %cond3A_26 {
      %get3A_27 = arith.constant 0 : index
      %get3A_28 = arith.constant 0 : index
      %get3A_29 = vector.load %arg19[%get3A_27, %get3A_28] : memref<512x512xf32, #tpu.memory_space<vmem>>, vector<512x512xf32>
      %get3A_30 = arith.constant 0 : index
      %get3A_31 = arith.constant 0 : index
      %get3A_32 = vector.load %arg11[%get3A_30, %get3A_31] : memref<1x512xf32, #tpu.memory_space<vmem>>, vector<1x512xf32>
      %add3A = vector.broadcast %get3A_32 : vector<1x512xf32> to vector<512x512xf32>
      %add3A_33 = arith.addf %get3A_29, %add3A : vector<512x512xf32>
      %swap3A = arith.constant 0 : index
      %swap3A_34 = arith.constant 0 : index
      %swap3A_35 = vector.load %arg19[%swap3A, %swap3A_34] : memref<512x512xf32, #tpu.memory_space<vmem>>, vector<512x512xf32>
      tpu.vector_store %arg19[%swap3A, %swap3A_34], %add3A_33 {strides = array<i32>} : memref<512x512xf32, #tpu.memory_space<vmem>>, vector<512x512xf32>,
      %get3A_36 = arith.constant 0 : index
      %get3A_37 = arith.constant 0 : index
      %get3A_38 = vector.load %arg20[%get3A_36, %get3A_37] : memref<512x512xf32, #tpu.memory_space<vmem>>, vector<512x512xf32>
      %get3A_39 = arith.constant 0 : index
      %get3A_40 = arith.constant 0 : index
      %get3A_41 = vector.load %arg3[%get3A_39, %get3A_40] : memref<1x512xf32, #tpu.memory_space<vmem>>, vector<1x512xf32>
      %add3A_42 = vector.broadcast %get3A_41 : vector<1x512xf32> to vector<512x512xf32>
      %add3A_43 = arith.addf %get3A_38, %add3A_42 : vector<512x512xf32>
      %max3A = arith.constant 0.000000e+00 : f32
      %max3A_44 = vector.broadcast %max3A : f32 to vector<512x512xf32>
      %max3A_45 = arith.maximumf %add3A_43, %max3A_44 : vector<512x512xf32>
      %get3A_46 = arith.constant 0 : index
      %get3A_47 = arith.constant 0 : index
      %get3A_48 = vector.load %arg4[%get3A_46, %get3A_47] : memref<512x256xf32, #tpu.memory_space<vmem>>, vector<512x256xf32>
      %dot_general3A_49 = arith.constant dense<0.000000e+00> : vector<512x256xf32>
      %dot_general3A_50 = tpu.matmul %max3A_45, %get3A_48, %dot_general3A_49 {dimension_numbers = #tpu.dot_dimension_numbers<[1], [0], [0], [1], [0, 0, 1, 1], [], []>, transpose_lhs_hint = false} : vector<512x512xf32>, vector<512x256xf32>, vector<512x256xf32> -> vector<512x256xf32>
      %get3A_51 = arith.constant 0 : index
      %get3A_52 = arith.constant 0 : index
      %get3A_53 = vector.load %arg5[%get3A_51, %get3A_52] : memref<1x256xf32, #tpu.memory_space<vmem>>, vector<1x256xf32>
      %add3A_54 = vector.broadcast %get3A_53 : vector<1x256xf32> to vector<512x256xf32>
      %add3A_55 = arith.addf %dot_general3A_50, %add3A_54 : vector<512x256xf32>
      %get3A_56 = arith.constant 0 : index
      %get3A_57 = arith.constant 0 : index
      %get3A_58 = vector.load %arg21[%get3A_56, %get3A_57] : memref<512x512xf32, #tpu.memory_space<vmem>>, vector<512x512xf32>
      %get3A_59 = arith.constant 0 : index
      %get3A_60 = arith.constant 0 : index
      %get3A_61 = vector.load %arg7[%get3A_59, %get3A_60] : memref<1x512xf32, #tpu.memory_space<vmem>>, vector<1x512xf32>
      %add3A_62 = vector.broadcast %get3A_61 : vector<1x512xf32> to vector<512x512xf32>
      %add3A_63 = arith.addf %get3A_58, %add3A_62 : vector<512x512xf32>
      %max3A_64 = arith.constant 0.000000e+00 : f32
      %max3A_65 = vector.broadcast %max3A_64 : f32 to vector<512x512xf32>
      %max3A_66 = arith.maximumf %add3A_63, %max3A_65 : vector<512x512xf32>
      %get3A_67 = arith.constant 0 : index
      %get3A_68 = arith.constant 0 : index
      %get3A_69 = vector.load %arg8[%get3A_67, %get3A_68] : memref<512x256xf32, #tpu.memory_space<vmem>>, vector<512x256xf32>
      %dot_general3A_70 = arith.constant dense<0.000000e+00> : vector<512x256xf32>
      %dot_general3A_71 = tpu.matmul %max3A_66, %get3A_69, %dot_general3A_70 {dimension_numbers = #tpu.dot_dimension_numbers<[1], [0], [0], [1], [0, 0, 1, 1], [], []>, transpose_lhs_hint = false} : vector<512x512xf32>, vector<512x256xf32>, vector<512x256xf32> -> vector<512x256xf32>
      %get3A_72 = arith.constant 0 : index
      %get3A_73 = arith.constant 0 : index
      %get3A_74 = vector.load %arg9[%get3A_72, %get3A_73] : memref<1x256xf32, #tpu.memory_space<vmem>>, vector<1x256xf32>
      %add3A_75 = vector.broadcast %get3A_74 : vector<1x256xf32> to vector<512x256xf32>
      %add3A_76 = arith.addf %dot_general3A_71, %add3A_75 : vector<512x256xf32>
      %iota3A = tpu.iota {dimensions = array<i32: 0>} : vector<64x64xi32>
      %iota3A_77 = tpu.iota {dimensions = array<i32: 1>} : vector<64x64xi32>
      %le3A = arith.cmpi sle, %iota3A, %iota3A_77 : vector<64x64xi32>
      %convert_element_type3A_78 = arith.extui %le3A : vector<64x64xi1> to vector<64x64xi32>
      %convert_element_type3A_79 = arith.sitofp %convert_element_type3A_78 : vector<64x64xi32> to vector<64x64xf32>
      %lt3A = arith.cmpi slt, %iota3A_77, %iota3A : vector<64x64xi32>
      %convert_element_type3A_80 = arith.extui %lt3A : vector<64x64xi1> to vector<64x64xi32>
      %convert_element_type3A_81 = arith.sitofp %convert_element_type3A_80 : vector<64x64xi32> to vector<64x64xf32>
      %iota3A_82 = tpu.iota {dimensions = array<i32: 0>} : vector<64x32xi32>
      %iota3A_83 = tpu.iota {dimensions = array<i32: 1>} : vector<64x32xi32>
      %iota3A_84 = tpu.iota {dimensions = array<i32: 1>} : vector<1x192xi32>
      %convert_element_type3A_85 = arith.sitofp %iota3A_84 : vector<1x192xi32> to vector<1x192xf32>
      %slice3A = vector.extract_strided_slice %add3A_55 {offsets = [0, 0], sizes = [64, 256], strides = [1, 1]} : vector<512x256xf32> to vector<64x256xf32>
      %slice3A_86 = vector.extract_strided_slice %add3A_76 {offsets = [0, 0], sizes = [64, 256], strides = [1, 1]} : vector<512x256xf32> to vector<64x256xf32>
      %dot_general3A_87 = arith.constant dense<0.000000e+00> : vector<64x64xf32>
      %dot_general3A_88 = tpu.matmul %slice3A, %slice3A_86, %dot_general3A_87 {dimension_numbers = #tpu.dot_dimension_numbers<[1], [1], [0], [0], [0, 0, 1, 0], [], []>, transpose_lhs_hint = false} : vector<64x256xf32>, vector<64x256xf32>, vector<64x64xf32> -> vector<64x64xf32>
      %logistic3A = arith.negf %dot_general3A_88 : vector<64x64xf32>
      %logistic3A_89 = math.exp %logistic3A : vector<64x64xf32>
      %logistic3A_90 = arith.constant 1.000000e+00 : f32
      %logistic3A_91 = vector.broadcast %logistic3A_90 : f32 to vector<64x64xf32>
      %logistic3A_92 = arith.addf %logistic3A_91, %logistic3A_89 : vector<64x64xf32>
      %logistic3A_93 = arith.divf %logistic3A_91, %logistic3A_92 : vector<64x64xf32>
      %swap3A_94 = arith.constant 0 : index
      %swap3A_95 = arith.constant 0 : index
      %swap3A_96 = arith.constant 0 : index
      %swap3A_97 = vector.load %arg16[%swap3A_94, %swap3A_95, %swap3A_96] : memref<8x64x64xf32, #tpu.memory_space<vmem>>, vector<1x64x64xf32>
      %swap3A_98 = vector.shape_cast %swap3A_97 : vector<1x64x64xf32> to vector<64x64xf32>
      %swap3A_99 = vector.shape_cast %logistic3A_93 : vector<64x64xf32> to vector<1x64x64xf32>
      tpu.vector_store %arg16[%swap3A_94, %swap3A_95, %swap3A_96], %swap3A_99 {strides = array<i32>} : memref<8x64x64xf32, #tpu.memory_space<vmem>>, vector<1x64x64xf32>,
      %get3A_100 = arith.constant 0 : index
      %get3A_101 = memref.load %arg14[%get3A_100] : memref<8xi32, #tpu.memory_space<smem>>
      %get3A_102 = arith.constant 0 : index
      %get3A_103 = memref.load %arg15[%get3A_102] : memref<8xi32, #tpu.memory_space<smem>>
      %gt3A_104 = arith.constant 5.000000e-01 : f32
      %gt3A_105 = vector.broadcast %gt3A_104 : f32 to vector<64x64xf32>
      %gt3A_106 = arith.cmpf ogt, %logistic3A_93, %gt3A_105 : vector<64x64xf32>
      %lt3A_107 = vector.broadcast %get3A_101 : i32 to vector<64x64xi32>
      %lt3A_108 = arith.cmpi slt, %iota3A, %lt3A_107 : vector<64x64xi32>
      %and3A = arith.andi %gt3A_106, %lt3A_108 : vector<64x64xi1>
      %lt3A_109 = vector.broadcast %get3A_101 : i32 to vector<64x64xi32>
      %lt3A_110 = arith.cmpi slt, %iota3A_77, %lt3A_109 : vector<64x64xi32>
      %and3A_111 = arith.andi %and3A, %lt3A_110 : vector<64x64xi1>
      %get3A_112 = arith.constant 0 : index
      %get3A_113 = arith.constant 0 : index
      %get3A_114 = vector.load %arg12[%get3A_112, %get3A_113] : memref<8x32xi32, #tpu.memory_space<vmem>>, vector<1x32xi32>
      %broadcast_in_dim3A = vector.shape_cast %get3A_114 : vector<1x32xi32> to vector<1x32xi32>
      %broadcast_in_dim3A_115 = vector.broadcast %broadcast_in_dim3A : vector<1x32xi32> to vector<64x32xi32>
      %get3A_116 = arith.constant 0 : index
      %get3A_117 = arith.constant 0 : index
      %get3A_118 = vector.load %arg13[%get3A_116, %get3A_117] : memref<8x32xi32, #tpu.memory_space<vmem>>, vector<1x32xi32>
      %broadcast_in_dim3A_119 = vector.shape_cast %get3A_118 : vector<1x32xi32> to vector<1x32xi32>
      %broadcast_in_dim3A_120 = vector.broadcast %broadcast_in_dim3A_119 : vector<1x32xi32> to vector<64x32xi32>
      %lt3A_121 = vector.broadcast %get3A_103 : i32 to vector<64x32xi32>
      %lt3A_122 = arith.cmpi slt, %iota3A_83, %lt3A_121 : vector<64x32xi32>
      %eq3A_123 = arith.cmpi eq, %iota3A_82, %broadcast_in_dim3A_115 : vector<64x32xi32>
      %eq3A_124 = arith.cmpi eq, %iota3A_82, %broadcast_in_dim3A_120 : vector<64x32xi32>
      %and3A_125 = arith.andi %eq3A_123, %lt3A_122 : vector<64x32xi1>
      %convert_element_type3A_126 = arith.extui %and3A_125 : vector<64x32xi1> to vector<64x32xi32>
      %convert_element_type3A_127 = arith.sitofp %convert_element_type3A_126 : vector<64x32xi32> to vector<64x32xf32>
      %convert_element_type3A_128 = arith.extui %eq3A_124 : vector<64x32xi1> to vector<64x32xi32>
      %convert_element_type3A_129 = arith.sitofp %convert_element_type3A_128 : vector<64x32xi32> to vector<64x32xf32>
      %dot_general3A_130 = arith.constant dense<0.000000e+00> : vector<64x64xf32>
      %dot_general3A_131 = tpu.matmul %convert_element_type3A_127, %convert_element_type3A_129, %dot_general3A_130 {dimension_numbers = #tpu.dot_dimension_numbers<[1], [1], [0], [0], [0, 0, 1, 0], [], []>, transpose_lhs_hint = false} : vector<64x32xf32>, vector<64x32xf32>, vector<64x64xf32> -> vector<64x64xf32>
      %and3A_132 = arith.andi %eq3A_124, %lt3A_122 : vector<64x32xi1>
      %convert_element_type3A_133 = arith.extui %and3A_132 : vector<64x32xi1> to vector<64x32xi32>
      %convert_element_type3A_134 = arith.sitofp %convert_element_type3A_133 : vector<64x32xi32> to vector<64x32xf32>
      %convert_element_type3A_135 = arith.extui %eq3A_123 : vector<64x32xi1> to vector<64x32xi32>
      %convert_element_type3A_136 = arith.sitofp %convert_element_type3A_135 : vector<64x32xi32> to vector<64x32xf32>
      %dot_general3A_137 = arith.constant dense<0.000000e+00> : vector<64x64xf32>
      %dot_general3A_138 = tpu.matmul %convert_element_type3A_134, %convert_element_type3A_136, %dot_general3A_137 {dimension_numbers = #tpu.dot_dimension_numbers<[1], [1], [0], [0], [0, 0, 1, 0], [], []>, transpose_lhs_hint = false} : vector<64x32xf32>, vector<64x32xf32>, vector<64x64xf32> -> vector<64x64xf32>
      %add3A_139 = arith.addf %dot_general3A_131, %dot_general3A_138 : vector<64x64xf32>
      %gt3A_140 = arith.constant 5.000000e-01 : f32
      %gt3A_141 = vector.broadcast %gt3A_140 : f32 to vector<64x64xf32>
      %gt3A_142 = arith.cmpf ogt, %add3A_139, %gt3A_141 : vector<64x64xf32>
      %or3A = arith.ori %and3A_111, %gt3A_142 : vector<64x64xi1>
      %jit3A = arith.constant 1.000000e+00 : f32
      %jit3A_143 = arith.constant 0.000000e+00 : f32
      %broadcast_in_dim3A_144 = vector.broadcast %jit3A : f32 to vector<64x64xf32>
      %broadcast_in_dim3A_145 = vector.broadcast %jit3A_143 : f32 to vector<64x64xf32>
      %select_n3A = arith.select %or3A, %broadcast_in_dim3A_144, %broadcast_in_dim3A_145 : vector<64x64xi1>, vector<64x64xf32>
      %dot_general3A_146 = arith.constant dense<0.000000e+00> : vector<64x64xf32>
      %dot_general3A_147 = tpu.matmul %select_n3A, %convert_element_type3A_79, %dot_general3A_146 {dimension_numbers = #tpu.dot_dimension_numbers<[1], [0], [0], [1], [0, 0, 1, 1], [], []>, transpose_lhs_hint = false} : vector<64x64xf32>, vector<64x64xf32>, vector<64x64xf32> -> vector<64x64xf32>
      %slice3A_148 = vector.extract_strided_slice %dot_general3A_147 {offsets = [0, 63], sizes = [64, 1], strides = [1, 1]} : vector<64x64xf32> to vector<64x1xf32>
      %dot_general3A_149 = arith.constant dense<0.000000e+00> : vector<64x1xf32>
      %dot_general3A_150 = tpu.matmul %convert_element_type3A_81, %slice3A_148, %dot_general3A_149 {dimension_numbers = #tpu.dot_dimension_numbers<[1], [0], [0], [1], [0, 0, 1, 1], [], []>, transpose_lhs_hint = false} : vector<64x64xf32>, vector<64x1xf32>, vector<64x1xf32> -> vector<64x1xf32>
      %add3A_151 = vector.broadcast %dot_general3A_150 : vector<64x1xf32> to vector<64x64xf32>
      %add3A_152 = arith.addf %add3A_151, %dot_general3A_147 : vector<64x64xf32>
      %sub3A = arith.constant 1.000000e+00 : f32
      %sub3A_153 = vector.broadcast %sub3A : f32 to vector<64x64xf32>
      %sub3A_154 = arith.subf %add3A_152, %sub3A_153 : vector<64x64xf32>
      %gt3A_155 = arith.constant 5.000000e-01 : f32
      %gt3A_156 = vector.broadcast %gt3A_155 : f32 to vector<64x64xf32>
      %gt3A_157 = arith.cmpf ogt, %select_n3A, %gt3A_156 : vector<64x64xf32>
      %lt3A_158 = arith.constant 1.720000e+02 : f32
      %lt3A_159 = vector.broadcast %lt3A_158 : f32 to vector<64x64xf32>
      %lt3A_160 = arith.cmpf olt, %sub3A_154, %lt3A_159 : vector<64x64xf32>
      %and3A_161 = arith.andi %gt3A_157, %lt3A_160 : vector<64x64xi1>
      %jit3A_162 = arith.constant 1.720000e+02 : f32
      %broadcast_in_dim3A_163 = vector.broadcast %jit3A_162 : f32 to vector<64x64xf32>
      %select_n3A_164 = arith.select %and3A_161, %sub3A_154, %broadcast_in_dim3A_163 : vector<64x64xi1>, vector<64x64xf32>
      %convert_element_type3A_165 = arith.fptosi %select_n3A_164 : vector<64x64xf32> to vector<64x64xi32>
      %swap3A_166 = arith.constant 0 : index
      %swap3A_167 = arith.constant 0 : index
      %swap3A_168 = arith.constant 0 : index
      %swap3A_169 = vector.load %arg17[%swap3A_166, %swap3A_167, %swap3A_168] : memref<8x64x64xi32, #tpu.memory_space<vmem>>, vector<1x64x64xi32>
      %swap3A_170 = vector.shape_cast %swap3A_169 : vector<1x64x64xi32> to vector<64x64xi32>
      %swap3A_171 = vector.shape_cast %convert_element_type3A_165 : vector<64x64xi32> to vector<1x64x64xi32>
      tpu.vector_store %arg17[%swap3A_166, %swap3A_167, %swap3A_168], %swap3A_171 {strides = array<i32>} : memref<8x64x64xi32, #tpu.memory_space<vmem>>, vector<1x64x64xi32>,
      %reduce_sum3A = vector.shape_cast %select_n3A : vector<64x64xf32> to vector<1x64x64xf32>
      %reduce_sum3A_172 = arith.constant dense<0.000000e+00> : vector<1xf32>
      %reduce_sum3A_173 = vector.multi_reduction <add>, %reduce_sum3A, %reduce_sum3A_172 [1, 2] : vector<1x64x64xf32> to vector<1xf32>
      %reduce_sum3A_174 = vector.shape_cast %reduce_sum3A_173 : vector<1xf32> to vector<1x1x1xf32>
      %reduce_sum3A_175 = vector.extract %reduce_sum3A_174[0, 0, 0] : f32 from vector<1x1x1xf32>
      %lt3A_176 = vector.broadcast %reduce_sum3A_175 : f32 to vector<1x192xf32>
      %lt3A_177 = arith.cmpf olt, %convert_element_type3A_85, %lt3A_176 : vector<1x192xf32>
      %convert_element_type3A_178 = arith.extui %lt3A_177 : vector<1x192xi1> to vector<1x192xi32>
      %convert_element_type3A_179 = arith.sitofp %convert_element_type3A_178 : vector<1x192xi32> to vector<1x192xf32>
      %swap3A_180 = arith.constant 0 : index
      %swap3A_181 = arith.constant 0 : index
      %swap3A_182 = vector.load %arg18[%swap3A_180, %swap3A_181] : memref<8x192xf32, #tpu.memory_space<vmem>>, vector<1x192xf32>
      tpu.vector_store %arg18[%swap3A_180, %swap3A_181], %convert_element_type3A_179 {strides = array<i32>} : memref<8x192xf32, #tpu.memory_space<vmem>>, vector<1x192xf32>,
      %slice3A_183 = vector.extract_strided_slice %add3A_55 {offsets = [64, 0], sizes = [64, 256], strides = [1, 1]} : vector<512x256xf32> to vector<64x256xf32>
      %slice3A_184 = vector.extract_strided_slice %add3A_76 {offsets = [64, 0], sizes = [64, 256], strides = [1, 1]} : vector<512x256xf32> to vector<64x256xf32>
      %dot_general3A_185 = arith.constant dense<0.000000e+00> : vector<64x64xf32>
      %dot_general3A_186 = tpu.matmul %slice3A_183, %slice3A_184, %dot_general3A_185 {dimension_numbers = #tpu.dot_dimension_numbers<[1], [1], [0], [0], [0, 0, 1, 0], [], []>, transpose_lhs_hint = false} : vector<64x256xf32>, vector<64x256xf32>, vector<64x64xf32> -> vector<64x64xf32>
      %logistic3A_187 = arith.negf %dot_general3A_186 : vector<64x64xf32>
      %logistic3A_188 = math.exp %logistic3A_187 : vector<64x64xf32>
      %logistic3A_189 = arith.constant 1.000000e+00 : f32
      %logistic3A_190 = vector.broadcast %logistic3A_189 : f32 to vector<64x64xf32>
      %logistic3A_191 = arith.addf %logistic3A_190, %logistic3A_188 : vector<64x64xf32>
      %logistic3A_192 = arith.divf %logistic3A_190, %logistic3A_191 : vector<64x64xf32>
      %swap3A_193 = arith.constant 1 : index
      %swap3A_194 = arith.constant 0 : index
      %swap3A_195 = arith.constant 0 : index
      %swap3A_196 = vector.load %arg16[%swap3A_193, %swap3A_194, %swap3A_195] : memref<8x64x64xf32, #tpu.memory_space<vmem>>, vector<1x64x64xf32>
      %swap3A_197 = vector.shape_cast %swap3A_196 : vector<1x64x64xf32> to vector<64x64xf32>
      %swap3A_198 = vector.shape_cast %logistic3A_192 : vector<64x64xf32> to vector<1x64x64xf32>
      tpu.vector_store %arg16[%swap3A_193, %swap3A_194, %swap3A_195], %swap3A_198 {strides = array<i32>} : memref<8x64x64xf32, #tpu.memory_space<vmem>>, vector<1x64x64xf32>,
      %get3A_199 = arith.constant 1 : index
      %get3A_200 = memref.load %arg14[%get3A_199] : memref<8xi32, #tpu.memory_space<smem>>
      %get3A_201 = arith.constant 1 : index
      %get3A_202 = memref.load %arg15[%get3A_201] : memref<8xi32, #tpu.memory_space<smem>>
      %gt3A_203 = arith.constant 5.000000e-01 : f32
      %gt3A_204 = vector.broadcast %gt3A_203 : f32 to vector<64x64xf32>
      %gt3A_205 = arith.cmpf ogt, %logistic3A_192, %gt3A_204 : vector<64x64xf32>
      %lt3A_206 = vector.broadcast %get3A_200 : i32 to vector<64x64xi32>
      %lt3A_207 = arith.cmpi slt, %iota3A, %lt3A_206 : vector<64x64xi32>
      %and3A_208 = arith.andi %gt3A_205, %lt3A_207 : vector<64x64xi1>
      %lt3A_209 = vector.broadcast %get3A_200 : i32 to vector<64x64xi32>
      %lt3A_210 = arith.cmpi slt, %iota3A_77, %lt3A_209 : vector<64x64xi32>
      %and3A_211 = arith.andi %and3A_208, %lt3A_210 : vector<64x64xi1>
      %get3A_212 = arith.constant 1 : index
      %get3A_213 = arith.constant 0 : index
      %get3A_214 = vector.load %arg12[%get3A_212, %get3A_213] : memref<8x32xi32, #tpu.memory_space<vmem>>, vector<1x32xi32>
      %broadcast_in_dim3A_215 = vector.shape_cast %get3A_214 : vector<1x32xi32> to vector<1x32xi32>
      %broadcast_in_dim3A_216 = vector.broadcast %broadcast_in_dim3A_215 : vector<1x32xi32> to vector<64x32xi32>
      %get3A_217 = arith.constant 1 : index
      %get3A_218 = arith.constant 0 : index
      %get3A_219 = vector.load %arg13[%get3A_217, %get3A_218] : memref<8x32xi32, #tpu.memory_space<vmem>>, vector<1x32xi32>
      %broadcast_in_dim3A_220 = vector.shape_cast %get3A_219 : vector<1x32xi32> to vector<1x32xi32>
      %broadcast_in_dim3A_221 = vector.broadcast %broadcast_in_dim3A_220 : vector<1x32xi32> to vector<64x32xi32>
      %lt3A_222 = vector.broadcast %get3A_202 : i32 to vector<64x32xi32>
      %lt3A_223 = arith.cmpi slt, %iota3A_83, %lt3A_222 : vector<64x32xi32>
      %eq3A_224 = arith.cmpi eq, %iota3A_82, %broadcast_in_dim3A_216 : vector<64x32xi32>
      %eq3A_225 = arith.cmpi eq, %iota3A_82, %broadcast_in_dim3A_221 : vector<64x32xi32>
      %and3A_226 = arith.andi %eq3A_224, %lt3A_223 : vector<64x32xi1>
      %convert_element_type3A_227 = arith.extui %and3A_226 : vector<64x32xi1> to vector<64x32xi32>
      %convert_element_type3A_228 = arith.sitofp %convert_element_type3A_227 : vector<64x32xi32> to vector<64x32xf32>
      %convert_element_type3A_229 = arith.extui %eq3A_225 : vector<64x32xi1> to vector<64x32xi32>
      %convert_element_type3A_230 = arith.sitofp %convert_element_type3A_229 : vector<64x32xi32> to vector<64x32xf32>
      %dot_general3A_231 = arith.constant dense<0.000000e+00> : vector<64x64xf32>
      %dot_general3A_232 = tpu.matmul %convert_element_type3A_228, %convert_element_type3A_230, %dot_general3A_231 {dimension_numbers = #tpu.dot_dimension_numbers<[1], [1], [0], [0], [0, 0, 1, 0], [], []>, transpose_lhs_hint = false} : vector<64x32xf32>, vector<64x32xf32>, vector<64x64xf32> -> vector<64x64xf32>
      %and3A_233 = arith.andi %eq3A_225, %lt3A_223 : vector<64x32xi1>
      %convert_element_type3A_234 = arith.extui %and3A_233 : vector<64x32xi1> to vector<64x32xi32>
      %convert_element_type3A_235 = arith.sitofp %convert_element_type3A_234 : vector<64x32xi32> to vector<64x32xf32>
      %convert_element_type3A_236 = arith.extui %eq3A_224 : vector<64x32xi1> to vector<64x32xi32>
      %convert_element_type3A_237 = arith.sitofp %convert_element_type3A_236 : vector<64x32xi32> to vector<64x32xf32>
      %dot_general3A_238 = arith.constant dense<0.000000e+00> : vector<64x64xf32>
      %dot_general3A_239 = tpu.matmul %convert_element_type3A_235, %convert_element_type3A_237, %dot_general3A_238 {dimension_numbers = #tpu.dot_dimension_numbers<[1], [1], [0], [0], [0, 0, 1, 0], [], []>, transpose_lhs_hint = false} : vector<64x32xf32>, vector<64x32xf32>, vector<64x64xf32> -> vector<64x64xf32>
      %add3A_240 = arith.addf %dot_general3A_232, %dot_general3A_239 : vector<64x64xf32>
      %gt3A_241 = arith.constant 5.000000e-01 : f32
      %gt3A_242 = vector.broadcast %gt3A_241 : f32 to vector<64x64xf32>
      %gt3A_243 = arith.cmpf ogt, %add3A_240, %gt3A_242 : vector<64x64xf32>
      %or3A_244 = arith.ori %and3A_211, %gt3A_243 : vector<64x64xi1>
      %jit3A_245 = arith.constant 1.000000e+00 : f32
      %jit3A_246 = arith.constant 0.000000e+00 : f32
      %broadcast_in_dim3A_247 = vector.broadcast %jit3A_245 : f32 to vector<64x64xf32>
      %broadcast_in_dim3A_248 = vector.broadcast %jit3A_246 : f32 to vector<64x64xf32>
      %select_n3A_249 = arith.select %or3A_244, %broadcast_in_dim3A_247, %broadcast_in_dim3A_248 : vector<64x64xi1>, vector<64x64xf32>
      %dot_general3A_250 = arith.constant dense<0.000000e+00> : vector<64x64xf32>
      %dot_general3A_251 = tpu.matmul %select_n3A_249, %convert_element_type3A_79, %dot_general3A_250 {dimension_numbers = #tpu.dot_dimension_numbers<[1], [0], [0], [1], [0, 0, 1, 1], [], []>, transpose_lhs_hint = false} : vector<64x64xf32>, vector<64x64xf32>, vector<64x64xf32> -> vector<64x64xf32>
      %slice3A_252 = vector.extract_strided_slice %dot_general3A_251 {offsets = [0, 63], sizes = [64, 1], strides = [1, 1]} : vector<64x64xf32> to vector<64x1xf32>
      %dot_general3A_253 = arith.constant dense<0.000000e+00> : vector<64x1xf32>
      %dot_general3A_254 = tpu.matmul %convert_element_type3A_81, %slice3A_252, %dot_general3A_253 {dimension_numbers = #tpu.dot_dimension_numbers<[1], [0], [0], [1], [0, 0, 1, 1], [], []>, transpose_lhs_hint = false} : vector<64x64xf32>, vector<64x1xf32>, vector<64x1xf32> -> vector<64x1xf32>
      %add3A_255 = vector.broadcast %dot_general3A_254 : vector<64x1xf32> to vector<64x64xf32>
      %add3A_256 = arith.addf %add3A_255, %dot_general3A_251 : vector<64x64xf32>
      %sub3A_257 = arith.constant 1.000000e+00 : f32
      %sub3A_258 = vector.broadcast %sub3A_257 : f32 to vector<64x64xf32>
      %sub3A_259 = arith.subf %add3A_256, %sub3A_258 : vector<64x64xf32>
      %gt3A_260 = arith.constant 5.000000e-01 : f32
      %gt3A_261 = vector.broadcast %gt3A_260 : f32 to vector<64x64xf32>
      %gt3A_262 = arith.cmpf ogt, %select_n3A_249, %gt3A_261 : vector<64x64xf32>
      %lt3A_263 = arith.constant 1.720000e+02 : f32
      %lt3A_264 = vector.broadcast %lt3A_263 : f32 to vector<64x64xf32>
      %lt3A_265 = arith.cmpf olt, %sub3A_259, %lt3A_264 : vector<64x64xf32>
      %and3A_266 = arith.andi %gt3A_262, %lt3A_265 : vector<64x64xi1>
      %jit3A_267 = arith.constant 1.720000e+02 : f32
      %broadcast_in_dim3A_268 = vector.broadcast %jit3A_267 : f32 to vector<64x64xf32>
      %select_n3A_269 = arith.select %and3A_266, %sub3A_259, %broadcast_in_dim3A_268 : vector<64x64xi1>, vector<64x64xf32>
      %convert_element_type3A_270 = arith.fptosi %select_n3A_269 : vector<64x64xf32> to vector<64x64xi32>
      %swap3A_271 = arith.constant 1 : index
      %swap3A_272 = arith.constant 0 : index
      %swap3A_273 = arith.constant 0 : index
      %swap3A_274 = vector.load %arg17[%swap3A_271, %swap3A_272, %swap3A_273] : memref<8x64x64xi32, #tpu.memory_space<vmem>>, vector<1x64x64xi32>
      %swap3A_275 = vector.shape_cast %swap3A_274 : vector<1x64x64xi32> to vector<64x64xi32>
      %swap3A_276 = vector.shape_cast %convert_element_type3A_270 : vector<64x64xi32> to vector<1x64x64xi32>
      tpu.vector_store %arg17[%swap3A_271, %swap3A_272, %swap3A_273], %swap3A_276 {strides = array<i32>} : memref<8x64x64xi32, #tpu.memory_space<vmem>>, vector<1x64x64xi32>,
      %reduce_sum3A_277 = vector.shape_cast %select_n3A_249 : vector<64x64xf32> to vector<1x64x64xf32>
      %reduce_sum3A_278 = arith.constant dense<0.000000e+00> : vector<1xf32>
      %reduce_sum3A_279 = vector.multi_reduction <add>, %reduce_sum3A_277, %reduce_sum3A_278 [1, 2] : vector<1x64x64xf32> to vector<1xf32>
      %reduce_sum3A_280 = vector.shape_cast %reduce_sum3A_279 : vector<1xf32> to vector<1x1x1xf32>
      %reduce_sum3A_281 = vector.extract %reduce_sum3A_280[0, 0, 0] : f32 from vector<1x1x1xf32>
      %lt3A_282 = vector.broadcast %reduce_sum3A_281 : f32 to vector<1x192xf32>
      %lt3A_283 = arith.cmpf olt, %convert_element_type3A_85, %lt3A_282 : vector<1x192xf32>
      %convert_element_type3A_284 = arith.extui %lt3A_283 : vector<1x192xi1> to vector<1x192xi32>
      %convert_element_type3A_285 = arith.sitofp %convert_element_type3A_284 : vector<1x192xi32> to vector<1x192xf32>
      %swap3A_286 = arith.constant 1 : index
      %swap3A_287 = arith.constant 0 : index
      %swap3A_288 = vector.load %arg18[%swap3A_286, %swap3A_287] : memref<8x192xf32, #tpu.memory_space<vmem>>, vector<1x192xf32>
      tpu.vector_store %arg18[%swap3A_286, %swap3A_287], %convert_element_type3A_285 {strides = array<i32>} : memref<8x192xf32, #tpu.memory_space<vmem>>, vector<1x192xf32>,
      %slice3A_289 = vector.extract_strided_slice %add3A_55 {offsets = [128, 0], sizes = [64, 256], strides = [1, 1]} : vector<512x256xf32> to vector<64x256xf32>
      %slice3A_290 = vector.extract_strided_slice %add3A_76 {offsets = [128, 0], sizes = [64, 256], strides = [1, 1]} : vector<512x256xf32> to vector<64x256xf32>
      %dot_general3A_291 = arith.constant dense<0.000000e+00> : vector<64x64xf32>
      %dot_general3A_292 = tpu.matmul %slice3A_289, %slice3A_290, %dot_general3A_291 {dimension_numbers = #tpu.dot_dimension_numbers<[1], [1], [0], [0], [0, 0, 1, 0], [], []>, transpose_lhs_hint = false} : vector<64x256xf32>, vector<64x256xf32>, vector<64x64xf32> -> vector<64x64xf32>
      %logistic3A_293 = arith.negf %dot_general3A_292 : vector<64x64xf32>
      %logistic3A_294 = math.exp %logistic3A_293 : vector<64x64xf32>
      %logistic3A_295 = arith.constant 1.000000e+00 : f32
      %logistic3A_296 = vector.broadcast %logistic3A_295 : f32 to vector<64x64xf32>
      %logistic3A_297 = arith.addf %logistic3A_296, %logistic3A_294 : vector<64x64xf32>
      %logistic3A_298 = arith.divf %logistic3A_296, %logistic3A_297 : vector<64x64xf32>
      %swap3A_299 = arith.constant 2 : index
      %swap3A_300 = arith.constant 0 : index
      %swap3A_301 = arith.constant 0 : index
      %swap3A_302 = vector.load %arg16[%swap3A_299, %swap3A_300, %swap3A_301] : memref<8x64x64xf32, #tpu.memory_space<vmem>>, vector<1x64x64xf32>
      %swap3A_303 = vector.shape_cast %swap3A_302 : vector<1x64x64xf32> to vector<64x64xf32>
      %swap3A_304 = vector.shape_cast %logistic3A_298 : vector<64x64xf32> to vector<1x64x64xf32>
      tpu.vector_store %arg16[%swap3A_299, %swap3A_300, %swap3A_301], %swap3A_304 {strides = array<i32>} : memref<8x64x64xf32, #tpu.memory_space<vmem>>, vector<1x64x64xf32>,
      %get3A_305 = arith.constant 2 : index
      %get3A_306 = memref.load %arg14[%get3A_305] : memref<8xi32, #tpu.memory_space<smem>>
      %get3A_307 = arith.constant 2 : index
      %get3A_308 = memref.load %arg15[%get3A_307] : memref<8xi32, #tpu.memory_space<smem>>
      %gt3A_309 = arith.constant 5.000000e-01 : f32
      %gt3A_310 = vector.broadcast %gt3A_309 : f32 to vector<64x64xf32>
      %gt3A_311 = arith.cmpf ogt, %logistic3A_298, %gt3A_310 : vector<64x64xf32>
      %lt3A_312 = vector.broadcast %get3A_306 : i32 to vector<64x64xi32>
      %lt3A_313 = arith.cmpi slt, %iota3A, %lt3A_312 : vector<64x64xi32>
      %and3A_314 = arith.andi %gt3A_311, %lt3A_313 : vector<64x64xi1>
      %lt3A_315 = vector.broadcast %get3A_306 : i32 to vector<64x64xi32>
      %lt3A_316 = arith.cmpi slt, %iota3A_77, %lt3A_315 : vector<64x64xi32>
      %and3A_317 = arith.andi %and3A_314, %lt3A_316 : vector<64x64xi1>
      %get3A_318 = arith.constant 2 : index
      %get3A_319 = arith.constant 0 : index
      %get3A_320 = vector.load %arg12[%get3A_318, %get3A_319] : memref<8x32xi32, #tpu.memory_space<vmem>>, vector<1x32xi32>
      %broadcast_in_dim3A_321 = vector.shape_cast %get3A_320 : vector<1x32xi32> to vector<1x32xi32>
      %broadcast_in_dim3A_322 = vector.broadcast %broadcast_in_dim3A_321 : vector<1x32xi32> to vector<64x32xi32>
      %get3A_323 = arith.constant 2 : index
      %get3A_324 = arith.constant 0 : index
      %get3A_325 = vector.load %arg13[%get3A_323, %get3A_324] : memref<8x32xi32, #tpu.memory_space<vmem>>, vector<1x32xi32>
      %broadcast_in_dim3A_326 = vector.shape_cast %get3A_325 : vector<1x32xi32> to vector<1x32xi32>
      %broadcast_in_dim3A_327 = vector.broadcast %broadcast_in_dim3A_326 : vector<1x32xi32> to vector<64x32xi32>
      %lt3A_328 = vector.broadcast %get3A_308 : i32 to vector<64x32xi32>
      %lt3A_329 = arith.cmpi slt, %iota3A_83, %lt3A_328 : vector<64x32xi32>
      %eq3A_330 = arith.cmpi eq, %iota3A_82, %broadcast_in_dim3A_322 : vector<64x32xi32>
      %eq3A_331 = arith.cmpi eq, %iota3A_82, %broadcast_in_dim3A_327 : vector<64x32xi32>
      %and3A_332 = arith.andi %eq3A_330, %lt3A_329 : vector<64x32xi1>
      %convert_element_type3A_333 = arith.extui %and3A_332 : vector<64x32xi1> to vector<64x32xi32>
      %convert_element_type3A_334 = arith.sitofp %convert_element_type3A_333 : vector<64x32xi32> to vector<64x32xf32>
      %convert_element_type3A_335 = arith.extui %eq3A_331 : vector<64x32xi1> to vector<64x32xi32>
      %convert_element_type3A_336 = arith.sitofp %convert_element_type3A_335 : vector<64x32xi32> to vector<64x32xf32>
      %dot_general3A_337 = arith.constant dense<0.000000e+00> : vector<64x64xf32>
      %dot_general3A_338 = tpu.matmul %convert_element_type3A_334, %convert_element_type3A_336, %dot_general3A_337 {dimension_numbers = #tpu.dot_dimension_numbers<[1], [1], [0], [0], [0, 0, 1, 0], [], []>, transpose_lhs_hint = false} : vector<64x32xf32>, vector<64x32xf32>, vector<64x64xf32> -> vector<64x64xf32>
      %and3A_339 = arith.andi %eq3A_331, %lt3A_329 : vector<64x32xi1>
      %convert_element_type3A_340 = arith.extui %and3A_339 : vector<64x32xi1> to vector<64x32xi32>
      %convert_element_type3A_341 = arith.sitofp %convert_element_type3A_340 : vector<64x32xi32> to vector<64x32xf32>
      %convert_element_type3A_342 = arith.extui %eq3A_330 : vector<64x32xi1> to vector<64x32xi32>
      %convert_element_type3A_343 = arith.sitofp %convert_element_type3A_342 : vector<64x32xi32> to vector<64x32xf32>
      %dot_general3A_344 = arith.constant dense<0.000000e+00> : vector<64x64xf32>
      %dot_general3A_345 = tpu.matmul %convert_element_type3A_341, %convert_element_type3A_343, %dot_general3A_344 {dimension_numbers = #tpu.dot_dimension_numbers<[1], [1], [0], [0], [0, 0, 1, 0], [], []>, transpose_lhs_hint = false} : vector<64x32xf32>, vector<64x32xf32>, vector<64x64xf32> -> vector<64x64xf32>
      %add3A_346 = arith.addf %dot_general3A_338, %dot_general3A_345 : vector<64x64xf32>
      %gt3A_347 = arith.constant 5.000000e-01 : f32
      %gt3A_348 = vector.broadcast %gt3A_347 : f32 to vector<64x64xf32>
      %gt3A_349 = arith.cmpf ogt, %add3A_346, %gt3A_348 : vector<64x64xf32>
      %or3A_350 = arith.ori %and3A_317, %gt3A_349 : vector<64x64xi1>
      %jit3A_351 = arith.constant 1.000000e+00 : f32
      %jit3A_352 = arith.constant 0.000000e+00 : f32
      %broadcast_in_dim3A_353 = vector.broadcast %jit3A_351 : f32 to vector<64x64xf32>
      %broadcast_in_dim3A_354 = vector.broadcast %jit3A_352 : f32 to vector<64x64xf32>
      %select_n3A_355 = arith.select %or3A_350, %broadcast_in_dim3A_353, %broadcast_in_dim3A_354 : vector<64x64xi1>, vector<64x64xf32>
      %dot_general3A_356 = arith.constant dense<0.000000e+00> : vector<64x64xf32>
      %dot_general3A_357 = tpu.matmul %select_n3A_355, %convert_element_type3A_79, %dot_general3A_356 {dimension_numbers = #tpu.dot_dimension_numbers<[1], [0], [0], [1], [0, 0, 1, 1], [], []>, transpose_lhs_hint = false} : vector<64x64xf32>, vector<64x64xf32>, vector<64x64xf32> -> vector<64x64xf32>
      %slice3A_358 = vector.extract_strided_slice %dot_general3A_357 {offsets = [0, 63], sizes = [64, 1], strides = [1, 1]} : vector<64x64xf32> to vector<64x1xf32>
      %dot_general3A_359 = arith.constant dense<0.000000e+00> : vector<64x1xf32>
      %dot_general3A_360 = tpu.matmul %convert_element_type3A_81, %slice3A_358, %dot_general3A_359 {dimension_numbers = #tpu.dot_dimension_numbers<[1], [0], [0], [1], [0, 0, 1, 1], [], []>, transpose_lhs_hint = false} : vector<64x64xf32>, vector<64x1xf32>, vector<64x1xf32> -> vector<64x1xf32>
      %add3A_361 = vector.broadcast %dot_general3A_360 : vector<64x1xf32> to vector<64x64xf32>
      %add3A_362 = arith.addf %add3A_361, %dot_general3A_357 : vector<64x64xf32>
      %sub3A_363 = arith.constant 1.000000e+00 : f32
      %sub3A_364 = vector.broadcast %sub3A_363 : f32 to vector<64x64xf32>
      %sub3A_365 = arith.subf %add3A_362, %sub3A_364 : vector<64x64xf32>
      %gt3A_366 = arith.constant 5.000000e-01 : f32
      %gt3A_367 = vector.broadcast %gt3A_366 : f32 to vector<64x64xf32>
      %gt3A_368 = arith.cmpf ogt, %select_n3A_355, %gt3A_367 : vector<64x64xf32>
      %lt3A_369 = arith.constant 1.720000e+02 : f32
      %lt3A_370 = vector.broadcast %lt3A_369 : f32 to vector<64x64xf32>
      %lt3A_371 = arith.cmpf olt, %sub3A_365, %lt3A_370 : vector<64x64xf32>
      %and3A_372 = arith.andi %gt3A_368, %lt3A_371 : vector<64x64xi1>
      %jit3A_373 = arith.constant 1.720000e+02 : f32
      %broadcast_in_dim3A_374 = vector.broadcast %jit3A_373 : f32 to vector<64x64xf32>
      %select_n3A_375 = arith.select %and3A_372, %sub3A_365, %broadcast_in_dim3A_374 : vector<64x64xi1>, vector<64x64xf32>
      %convert_element_type3A_376 = arith.fptosi %select_n3A_375 : vector<64x64xf32> to vector<64x64xi32>
      %swap3A_377 = arith.constant 2 : index
      %swap3A_378 = arith.constant 0 : index
      %swap3A_379 = arith.constant 0 : index
      %swap3A_380 = vector.load %arg17[%swap3A_377, %swap3A_378, %swap3A_379] : memref<8x64x64xi32, #tpu.memory_space<vmem>>, vector<1x64x64xi32>
      %swap3A_381 = vector.shape_cast %swap3A_380 : vector<1x64x64xi32> to vector<64x64xi32>
      %swap3A_382 = vector.shape_cast %convert_element_type3A_376 : vector<64x64xi32> to vector<1x64x64xi32>
      tpu.vector_store %arg17[%swap3A_377, %swap3A_378, %swap3A_379], %swap3A_382 {strides = array<i32>} : memref<8x64x64xi32, #tpu.memory_space<vmem>>, vector<1x64x64xi32>,
      %reduce_sum3A_383 = vector.shape_cast %select_n3A_355 : vector<64x64xf32> to vector<1x64x64xf32>
      %reduce_sum3A_384 = arith.constant dense<0.000000e+00> : vector<1xf32>
      %reduce_sum3A_385 = vector.multi_reduction <add>, %reduce_sum3A_383, %reduce_sum3A_384 [1, 2] : vector<1x64x64xf32> to vector<1xf32>
      %reduce_sum3A_386 = vector.shape_cast %reduce_sum3A_385 : vector<1xf32> to vector<1x1x1xf32>
      %reduce_sum3A_387 = vector.extract %reduce_sum3A_386[0, 0, 0] : f32 from vector<1x1x1xf32>
      %lt3A_388 = vector.broadcast %reduce_sum3A_387 : f32 to vector<1x192xf32>
      %lt3A_389 = arith.cmpf olt, %convert_element_type3A_85, %lt3A_388 : vector<1x192xf32>
      %convert_element_type3A_390 = arith.extui %lt3A_389 : vector<1x192xi1> to vector<1x192xi32>
      %convert_element_type3A_391 = arith.sitofp %convert_element_type3A_390 : vector<1x192xi32> to vector<1x192xf32>
      %swap3A_392 = arith.constant 2 : index
      %swap3A_393 = arith.constant 0 : index
      %swap3A_394 = vector.load %arg18[%swap3A_392, %swap3A_393] : memref<8x192xf32, #tpu.memory_space<vmem>>, vector<1x192xf32>
      tpu.vector_store %arg18[%swap3A_392, %swap3A_393], %convert_element_type3A_391 {strides = array<i32>} : memref<8x192xf32, #tpu.memory_space<vmem>>, vector<1x192xf32>,
      %slice3A_395 = vector.extract_strided_slice %add3A_55 {offsets = [192, 0], sizes = [64, 256], strides = [1, 1]} : vector<512x256xf32> to vector<64x256xf32>
      %slice3A_396 = vector.extract_strided_slice %add3A_76 {offsets = [192, 0], sizes = [64, 256], strides = [1, 1]} : vector<512x256xf32> to vector<64x256xf32>
      %dot_general3A_397 = arith.constant dense<0.000000e+00> : vector<64x64xf32>
      %dot_general3A_398 = tpu.matmul %slice3A_395, %slice3A_396, %dot_general3A_397 {dimension_numbers = #tpu.dot_dimension_numbers<[1], [1], [0], [0], [0, 0, 1, 0], [], []>, transpose_lhs_hint = false} : vector<64x256xf32>, vector<64x256xf32>, vector<64x64xf32> -> vector<64x64xf32>
      %logistic3A_399 = arith.negf %dot_general3A_398 : vector<64x64xf32>
      %logistic3A_400 = math.exp %logistic3A_399 : vector<64x64xf32>
      %logistic3A_401 = arith.constant 1.000000e+00 : f32
      %logistic3A_402 = vector.broadcast %logistic3A_401 : f32 to vector<64x64xf32>
      %logistic3A_403 = arith.addf %logistic3A_402, %logistic3A_400 : vector<64x64xf32>
      %logistic3A_404 = arith.divf %logistic3A_402, %logistic3A_403 : vector<64x64xf32>
      %swap3A_405 = arith.constant 3 : index
      %swap3A_406 = arith.constant 0 : index
      %swap3A_407 = arith.constant 0 : index
      %swap3A_408 = vector.load %arg16[%swap3A_405, %swap3A_406, %swap3A_407] : memref<8x64x64xf32, #tpu.memory_space<vmem>>, vector<1x64x64xf32>
      %swap3A_409 = vector.shape_cast %swap3A_408 : vector<1x64x64xf32> to vector<64x64xf32>
      %swap3A_410 = vector.shape_cast %logistic3A_404 : vector<64x64xf32> to vector<1x64x64xf32>
      tpu.vector_store %arg16[%swap3A_405, %swap3A_406, %swap3A_407], %swap3A_410 {strides = array<i32>} : memref<8x64x64xf32, #tpu.memory_space<vmem>>, vector<1x64x64xf32>,
      %get3A_411 = arith.constant 3 : index
      %get3A_412 = memref.load %arg14[%get3A_411] : memref<8xi32, #tpu.memory_space<smem>>
      %get3A_413 = arith.constant 3 : index
      %get3A_414 = memref.load %arg15[%get3A_413] : memref<8xi32, #tpu.memory_space<smem>>
      %gt3A_415 = arith.constant 5.000000e-01 : f32
      %gt3A_416 = vector.broadcast %gt3A_415 : f32 to vector<64x64xf32>
      %gt3A_417 = arith.cmpf ogt, %logistic3A_404, %gt3A_416 : vector<64x64xf32>
      %lt3A_418 = vector.broadcast %get3A_412 : i32 to vector<64x64xi32>
      %lt3A_419 = arith.cmpi slt, %iota3A, %lt3A_418 : vector<64x64xi32>
      %and3A_420 = arith.andi %gt3A_417, %lt3A_419 : vector<64x64xi1>
      %lt3A_421 = vector.broadcast %get3A_412 : i32 to vector<64x64xi32>
      %lt3A_422 = arith.cmpi slt, %iota3A_77, %lt3A_421 : vector<64x64xi32>
      %and3A_423 = arith.andi %and3A_420, %lt3A_422 : vector<64x64xi1>
      %get3A_424 = arith.constant 3 : index
      %get3A_425 = arith.constant 0 : index
      %get3A_426 = vector.load %arg12[%get3A_424, %get3A_425] : memref<8x32xi32, #tpu.memory_space<vmem>>, vector<1x32xi32>
      %broadcast_in_dim3A_427 = vector.shape_cast %get3A_426 : vector<1x32xi32> to vector<1x32xi32>
      %broadcast_in_dim3A_428 = vector.broadcast %broadcast_in_dim3A_427 : vector<1x32xi32> to vector<64x32xi32>
      %get3A_429 = arith.constant 3 : index
      %get3A_430 = arith.constant 0 : index
      %get3A_431 = vector.load %arg13[%get3A_429, %get3A_430] : memref<8x32xi32, #tpu.memory_space<vmem>>, vector<1x32xi32>
      %broadcast_in_dim3A_432 = vector.shape_cast %get3A_431 : vector<1x32xi32> to vector<1x32xi32>
      %broadcast_in_dim3A_433 = vector.broadcast %broadcast_in_dim3A_432 : vector<1x32xi32> to vector<64x32xi32>
      %lt3A_434 = vector.broadcast %get3A_414 : i32 to vector<64x32xi32>
      %lt3A_435 = arith.cmpi slt, %iota3A_83, %lt3A_434 : vector<64x32xi32>
      %eq3A_436 = arith.cmpi eq, %iota3A_82, %broadcast_in_dim3A_428 : vector<64x32xi32>
      %eq3A_437 = arith.cmpi eq, %iota3A_82, %broadcast_in_dim3A_433 : vector<64x32xi32>
      %and3A_438 = arith.andi %eq3A_436, %lt3A_435 : vector<64x32xi1>
      %convert_element_type3A_439 = arith.extui %and3A_438 : vector<64x32xi1> to vector<64x32xi32>
      %convert_element_type3A_440 = arith.sitofp %convert_element_type3A_439 : vector<64x32xi32> to vector<64x32xf32>
      %convert_element_type3A_441 = arith.extui %eq3A_437 : vector<64x32xi1> to vector<64x32xi32>
      %convert_element_type3A_442 = arith.sitofp %convert_element_type3A_441 : vector<64x32xi32> to vector<64x32xf32>
      %dot_general3A_443 = arith.constant dense<0.000000e+00> : vector<64x64xf32>
      %dot_general3A_444 = tpu.matmul %convert_element_type3A_440, %convert_element_type3A_442, %dot_general3A_443 {dimension_numbers = #tpu.dot_dimension_numbers<[1], [1], [0], [0], [0, 0, 1, 0], [], []>, transpose_lhs_hint = false} : vector<64x32xf32>, vector<64x32xf32>, vector<64x64xf32> -> vector<64x64xf32>
      %and3A_445 = arith.andi %eq3A_437, %lt3A_435 : vector<64x32xi1>
      %convert_element_type3A_446 = arith.extui %and3A_445 : vector<64x32xi1> to vector<64x32xi32>
      %convert_element_type3A_447 = arith.sitofp %convert_element_type3A_446 : vector<64x32xi32> to vector<64x32xf32>
      %convert_element_type3A_448 = arith.extui %eq3A_436 : vector<64x32xi1> to vector<64x32xi32>
      %convert_element_type3A_449 = arith.sitofp %convert_element_type3A_448 : vector<64x32xi32> to vector<64x32xf32>
      %dot_general3A_450 = arith.constant dense<0.000000e+00> : vector<64x64xf32>
      %dot_general3A_451 = tpu.matmul %convert_element_type3A_447, %convert_element_type3A_449, %dot_general3A_450 {dimension_numbers = #tpu.dot_dimension_numbers<[1], [1], [0], [0], [0, 0, 1, 0], [], []>, transpose_lhs_hint = false} : vector<64x32xf32>, vector<64x32xf32>, vector<64x64xf32> -> vector<64x64xf32>
      %add3A_452 = arith.addf %dot_general3A_444, %dot_general3A_451 : vector<64x64xf32>
      %gt3A_453 = arith.constant 5.000000e-01 : f32
      %gt3A_454 = vector.broadcast %gt3A_453 : f32 to vector<64x64xf32>
      %gt3A_455 = arith.cmpf ogt, %add3A_452, %gt3A_454 : vector<64x64xf32>
      %or3A_456 = arith.ori %and3A_423, %gt3A_455 : vector<64x64xi1>
      %jit3A_457 = arith.constant 1.000000e+00 : f32
      %jit3A_458 = arith.constant 0.000000e+00 : f32
      %broadcast_in_dim3A_459 = vector.broadcast %jit3A_457 : f32 to vector<64x64xf32>
      %broadcast_in_dim3A_460 = vector.broadcast %jit3A_458 : f32 to vector<64x64xf32>
      %select_n3A_461 = arith.select %or3A_456, %broadcast_in_dim3A_459, %broadcast_in_dim3A_460 : vector<64x64xi1>, vector<64x64xf32>
      %dot_general3A_462 = arith.constant dense<0.000000e+00> : vector<64x64xf32>
      %dot_general3A_463 = tpu.matmul %select_n3A_461, %convert_element_type3A_79, %dot_general3A_462 {dimension_numbers = #tpu.dot_dimension_numbers<[1], [0], [0], [1], [0, 0, 1, 1], [], []>, transpose_lhs_hint = false} : vector<64x64xf32>, vector<64x64xf32>, vector<64x64xf32> -> vector<64x64xf32>
      %slice3A_464 = vector.extract_strided_slice %dot_general3A_463 {offsets = [0, 63], sizes = [64, 1], strides = [1, 1]} : vector<64x64xf32> to vector<64x1xf32>
      %dot_general3A_465 = arith.constant dense<0.000000e+00> : vector<64x1xf32>
      %dot_general3A_466 = tpu.matmul %convert_element_type3A_81, %slice3A_464, %dot_general3A_465 {dimension_numbers = #tpu.dot_dimension_numbers<[1], [0], [0], [1], [0, 0, 1, 1], [], []>, transpose_lhs_hint = false} : vector<64x64xf32>, vector<64x1xf32>, vector<64x1xf32> -> vector<64x1xf32>
      %add3A_467 = vector.broadcast %dot_general3A_466 : vector<64x1xf32> to vector<64x64xf32>
      %add3A_468 = arith.addf %add3A_467, %dot_general3A_463 : vector<64x64xf32>
      %sub3A_469 = arith.constant 1.000000e+00 : f32
      %sub3A_470 = vector.broadcast %sub3A_469 : f32 to vector<64x64xf32>
      %sub3A_471 = arith.subf %add3A_468, %sub3A_470 : vector<64x64xf32>
      %gt3A_472 = arith.constant 5.000000e-01 : f32
      %gt3A_473 = vector.broadcast %gt3A_472 : f32 to vector<64x64xf32>
      %gt3A_474 = arith.cmpf ogt, %select_n3A_461, %gt3A_473 : vector<64x64xf32>
      %lt3A_475 = arith.constant 1.720000e+02 : f32
      %lt3A_476 = vector.broadcast %lt3A_475 : f32 to vector<64x64xf32>
      %lt3A_477 = arith.cmpf olt, %sub3A_471, %lt3A_476 : vector<64x64xf32>
      %and3A_478 = arith.andi %gt3A_474, %lt3A_477 : vector<64x64xi1>
      %jit3A_479 = arith.constant 1.720000e+02 : f32
      %broadcast_in_dim3A_480 = vector.broadcast %jit3A_479 : f32 to vector<64x64xf32>
      %select_n3A_481 = arith.select %and3A_478, %sub3A_471, %broadcast_in_dim3A_480 : vector<64x64xi1>, vector<64x64xf32>
      %convert_element_type3A_482 = arith.fptosi %select_n3A_481 : vector<64x64xf32> to vector<64x64xi32>
      %swap3A_483 = arith.constant 3 : index
      %swap3A_484 = arith.constant 0 : index
      %swap3A_485 = arith.constant 0 : index
      %swap3A_486 = vector.load %arg17[%swap3A_483, %swap3A_484, %swap3A_485] : memref<8x64x64xi32, #tpu.memory_space<vmem>>, vector<1x64x64xi32>
      %swap3A_487 = vector.shape_cast %swap3A_486 : vector<1x64x64xi32> to vector<64x64xi32>
      %swap3A_488 = vector.shape_cast %convert_element_type3A_482 : vector<64x64xi32> to vector<1x64x64xi32>
      tpu.vector_store %arg17[%swap3A_483, %swap3A_484, %swap3A_485], %swap3A_488 {strides = array<i32>} : memref<8x64x64xi32, #tpu.memory_space<vmem>>, vector<1x64x64xi32>,
      %reduce_sum3A_489 = vector.shape_cast %select_n3A_461 : vector<64x64xf32> to vector<1x64x64xf32>
      %reduce_sum3A_490 = arith.constant dense<0.000000e+00> : vector<1xf32>
      %reduce_sum3A_491 = vector.multi_reduction <add>, %reduce_sum3A_489, %reduce_sum3A_490 [1, 2] : vector<1x64x64xf32> to vector<1xf32>
      %reduce_sum3A_492 = vector.shape_cast %reduce_sum3A_491 : vector<1xf32> to vector<1x1x1xf32>
      %reduce_sum3A_493 = vector.extract %reduce_sum3A_492[0, 0, 0] : f32 from vector<1x1x1xf32>
      %lt3A_494 = vector.broadcast %reduce_sum3A_493 : f32 to vector<1x192xf32>
      %lt3A_495 = arith.cmpf olt, %convert_element_type3A_85, %lt3A_494 : vector<1x192xf32>
      %convert_element_type3A_496 = arith.extui %lt3A_495 : vector<1x192xi1> to vector<1x192xi32>
      %convert_element_type3A_497 = arith.sitofp %convert_element_type3A_496 : vector<1x192xi32> to vector<1x192xf32>
      %swap3A_498 = arith.constant 3 : index
      %swap3A_499 = arith.constant 0 : index
      %swap3A_500 = vector.load %arg18[%swap3A_498, %swap3A_499] : memref<8x192xf32, #tpu.memory_space<vmem>>, vector<1x192xf32>
      tpu.vector_store %arg18[%swap3A_498, %swap3A_499], %convert_element_type3A_497 {strides = array<i32>} : memref<8x192xf32, #tpu.memory_space<vmem>>, vector<1x192xf32>,
      %slice3A_501 = vector.extract_strided_slice %add3A_55 {offsets = [256, 0], sizes = [64, 256], strides = [1, 1]} : vector<512x256xf32> to vector<64x256xf32>
      %slice3A_502 = vector.extract_strided_slice %add3A_76 {offsets = [256, 0], sizes = [64, 256], strides = [1, 1]} : vector<512x256xf32> to vector<64x256xf32>
      %dot_general3A_503 = arith.constant dense<0.000000e+00> : vector<64x64xf32>
      %dot_general3A_504 = tpu.matmul %slice3A_501, %slice3A_502, %dot_general3A_503 {dimension_numbers = #tpu.dot_dimension_numbers<[1], [1], [0], [0], [0, 0, 1, 0], [], []>, transpose_lhs_hint = false} : vector<64x256xf32>, vector<64x256xf32>, vector<64x64xf32> -> vector<64x64xf32>
      %logistic3A_505 = arith.negf %dot_general3A_504 : vector<64x64xf32>
      %logistic3A_506 = math.exp %logistic3A_505 : vector<64x64xf32>
      %logistic3A_507 = arith.constant 1.000000e+00 : f32
      %logistic3A_508 = vector.broadcast %logistic3A_507 : f32 to vector<64x64xf32>
      %logistic3A_509 = arith.addf %logistic3A_508, %logistic3A_506 : vector<64x64xf32>
      %logistic3A_510 = arith.divf %logistic3A_508, %logistic3A_509 : vector<64x64xf32>
      %swap3A_511 = arith.constant 4 : index
      %swap3A_512 = arith.constant 0 : index
      %swap3A_513 = arith.constant 0 : index
      %swap3A_514 = vector.load %arg16[%swap3A_511, %swap3A_512, %swap3A_513] : memref<8x64x64xf32, #tpu.memory_space<vmem>>, vector<1x64x64xf32>
      %swap3A_515 = vector.shape_cast %swap3A_514 : vector<1x64x64xf32> to vector<64x64xf32>
      %swap3A_516 = vector.shape_cast %logistic3A_510 : vector<64x64xf32> to vector<1x64x64xf32>
      tpu.vector_store %arg16[%swap3A_511, %swap3A_512, %swap3A_513], %swap3A_516 {strides = array<i32>} : memref<8x64x64xf32, #tpu.memory_space<vmem>>, vector<1x64x64xf32>,
      %get3A_517 = arith.constant 4 : index
      %get3A_518 = memref.load %arg14[%get3A_517] : memref<8xi32, #tpu.memory_space<smem>>
      %get3A_519 = arith.constant 4 : index
      %get3A_520 = memref.load %arg15[%get3A_519] : memref<8xi32, #tpu.memory_space<smem>>
      %gt3A_521 = arith.constant 5.000000e-01 : f32
      %gt3A_522 = vector.broadcast %gt3A_521 : f32 to vector<64x64xf32>
      %gt3A_523 = arith.cmpf ogt, %logistic3A_510, %gt3A_522 : vector<64x64xf32>
      %lt3A_524 = vector.broadcast %get3A_518 : i32 to vector<64x64xi32>
      %lt3A_525 = arith.cmpi slt, %iota3A, %lt3A_524 : vector<64x64xi32>
      %and3A_526 = arith.andi %gt3A_523, %lt3A_525 : vector<64x64xi1>
      %lt3A_527 = vector.broadcast %get3A_518 : i32 to vector<64x64xi32>
      %lt3A_528 = arith.cmpi slt, %iota3A_77, %lt3A_527 : vector<64x64xi32>
      %and3A_529 = arith.andi %and3A_526, %lt3A_528 : vector<64x64xi1>
      %get3A_530 = arith.constant 4 : index
      %get3A_531 = arith.constant 0 : index
      %get3A_532 = vector.load %arg12[%get3A_530, %get3A_531] : memref<8x32xi32, #tpu.memory_space<vmem>>, vector<1x32xi32>
      %broadcast_in_dim3A_533 = vector.shape_cast %get3A_532 : vector<1x32xi32> to vector<1x32xi32>
      %broadcast_in_dim3A_534 = vector.broadcast %broadcast_in_dim3A_533 : vector<1x32xi32> to vector<64x32xi32>
      %get3A_535 = arith.constant 4 : index
      %get3A_536 = arith.constant 0 : index
      %get3A_537 = vector.load %arg13[%get3A_535, %get3A_536] : memref<8x32xi32, #tpu.memory_space<vmem>>, vector<1x32xi32>
      %broadcast_in_dim3A_538 = vector.shape_cast %get3A_537 : vector<1x32xi32> to vector<1x32xi32>
      %broadcast_in_dim3A_539 = vector.broadcast %broadcast_in_dim3A_538 : vector<1x32xi32> to vector<64x32xi32>
      %lt3A_540 = vector.broadcast %get3A_520 : i32 to vector<64x32xi32>
      %lt3A_541 = arith.cmpi slt, %iota3A_83, %lt3A_540 : vector<64x32xi32>
      %eq3A_542 = arith.cmpi eq, %iota3A_82, %broadcast_in_dim3A_534 : vector<64x32xi32>
      %eq3A_543 = arith.cmpi eq, %iota3A_82, %broadcast_in_dim3A_539 : vector<64x32xi32>
      %and3A_544 = arith.andi %eq3A_542, %lt3A_541 : vector<64x32xi1>
      %convert_element_type3A_545 = arith.extui %and3A_544 : vector<64x32xi1> to vector<64x32xi32>
      %convert_element_type3A_546 = arith.sitofp %convert_element_type3A_545 : vector<64x32xi32> to vector<64x32xf32>
      %convert_element_type3A_547 = arith.extui %eq3A_543 : vector<64x32xi1> to vector<64x32xi32>
      %convert_element_type3A_548 = arith.sitofp %convert_element_type3A_547 : vector<64x32xi32> to vector<64x32xf32>
      %dot_general3A_549 = arith.constant dense<0.000000e+00> : vector<64x64xf32>
      %dot_general3A_550 = tpu.matmul %convert_element_type3A_546, %convert_element_type3A_548, %dot_general3A_549 {dimension_numbers = #tpu.dot_dimension_numbers<[1], [1], [0], [0], [0, 0, 1, 0], [], []>, transpose_lhs_hint = false} : vector<64x32xf32>, vector<64x32xf32>, vector<64x64xf32> -> vector<64x64xf32>
      %and3A_551 = arith.andi %eq3A_543, %lt3A_541 : vector<64x32xi1>
      %convert_element_type3A_552 = arith.extui %and3A_551 : vector<64x32xi1> to vector<64x32xi32>
      %convert_element_type3A_553 = arith.sitofp %convert_element_type3A_552 : vector<64x32xi32> to vector<64x32xf32>
      %convert_element_type3A_554 = arith.extui %eq3A_542 : vector<64x32xi1> to vector<64x32xi32>
      %convert_element_type3A_555 = arith.sitofp %convert_element_type3A_554 : vector<64x32xi32> to vector<64x32xf32>
      %dot_general3A_556 = arith.constant dense<0.000000e+00> : vector<64x64xf32>
      %dot_general3A_557 = tpu.matmul %convert_element_type3A_553, %convert_element_type3A_555, %dot_general3A_556 {dimension_numbers = #tpu.dot_dimension_numbers<[1], [1], [0], [0], [0, 0, 1, 0], [], []>, transpose_lhs_hint = false} : vector<64x32xf32>, vector<64x32xf32>, vector<64x64xf32> -> vector<64x64xf32>
      %add3A_558 = arith.addf %dot_general3A_550, %dot_general3A_557 : vector<64x64xf32>
      %gt3A_559 = arith.constant 5.000000e-01 : f32
      %gt3A_560 = vector.broadcast %gt3A_559 : f32 to vector<64x64xf32>
      %gt3A_561 = arith.cmpf ogt, %add3A_558, %gt3A_560 : vector<64x64xf32>
      %or3A_562 = arith.ori %and3A_529, %gt3A_561 : vector<64x64xi1>
      %jit3A_563 = arith.constant 1.000000e+00 : f32
      %jit3A_564 = arith.constant 0.000000e+00 : f32
      %broadcast_in_dim3A_565 = vector.broadcast %jit3A_563 : f32 to vector<64x64xf32>
      %broadcast_in_dim3A_566 = vector.broadcast %jit3A_564 : f32 to vector<64x64xf32>
      %select_n3A_567 = arith.select %or3A_562, %broadcast_in_dim3A_565, %broadcast_in_dim3A_566 : vector<64x64xi1>, vector<64x64xf32>
      %dot_general3A_568 = arith.constant dense<0.000000e+00> : vector<64x64xf32>
      %dot_general3A_569 = tpu.matmul %select_n3A_567, %convert_element_type3A_79, %dot_general3A_568 {dimension_numbers = #tpu.dot_dimension_numbers<[1], [0], [0], [1], [0, 0, 1, 1], [], []>, transpose_lhs_hint = false} : vector<64x64xf32>, vector<64x64xf32>, vector<64x64xf32> -> vector<64x64xf32>
      %slice3A_570 = vector.extract_strided_slice %dot_general3A_569 {offsets = [0, 63], sizes = [64, 1], strides = [1, 1]} : vector<64x64xf32> to vector<64x1xf32>
      %dot_general3A_571 = arith.constant dense<0.000000e+00> : vector<64x1xf32>
      %dot_general3A_572 = tpu.matmul %convert_element_type3A_81, %slice3A_570, %dot_general3A_571 {dimension_numbers = #tpu.dot_dimension_numbers<[1], [0], [0], [1], [0, 0, 1, 1], [], []>, transpose_lhs_hint = false} : vector<64x64xf32>, vector<64x1xf32>, vector<64x1xf32> -> vector<64x1xf32>
      %add3A_573 = vector.broadcast %dot_general3A_572 : vector<64x1xf32> to vector<64x64xf32>
      %add3A_574 = arith.addf %add3A_573, %dot_general3A_569 : vector<64x64xf32>
      %sub3A_575 = arith.constant 1.000000e+00 : f32
      %sub3A_576 = vector.broadcast %sub3A_575 : f32 to vector<64x64xf32>
      %sub3A_577 = arith.subf %add3A_574, %sub3A_576 : vector<64x64xf32>
      %gt3A_578 = arith.constant 5.000000e-01 : f32
      %gt3A_579 = vector.broadcast %gt3A_578 : f32 to vector<64x64xf32>
      %gt3A_580 = arith.cmpf ogt, %select_n3A_567, %gt3A_579 : vector<64x64xf32>
      %lt3A_581 = arith.constant 1.720000e+02 : f32
      %lt3A_582 = vector.broadcast %lt3A_581 : f32 to vector<64x64xf32>
      %lt3A_583 = arith.cmpf olt, %sub3A_577, %lt3A_582 : vector<64x64xf32>
      %and3A_584 = arith.andi %gt3A_580, %lt3A_583 : vector<64x64xi1>
      %jit3A_585 = arith.constant 1.720000e+02 : f32
      %broadcast_in_dim3A_586 = vector.broadcast %jit3A_585 : f32 to vector<64x64xf32>
      %select_n3A_587 = arith.select %and3A_584, %sub3A_577, %broadcast_in_dim3A_586 : vector<64x64xi1>, vector<64x64xf32>
      %convert_element_type3A_588 = arith.fptosi %select_n3A_587 : vector<64x64xf32> to vector<64x64xi32>
      %swap3A_589 = arith.constant 4 : index
      %swap3A_590 = arith.constant 0 : index
      %swap3A_591 = arith.constant 0 : index
      %swap3A_592 = vector.load %arg17[%swap3A_589, %swap3A_590, %swap3A_591] : memref<8x64x64xi32, #tpu.memory_space<vmem>>, vector<1x64x64xi32>
      %swap3A_593 = vector.shape_cast %swap3A_592 : vector<1x64x64xi32> to vector<64x64xi32>
      %swap3A_594 = vector.shape_cast %convert_element_type3A_588 : vector<64x64xi32> to vector<1x64x64xi32>
      tpu.vector_store %arg17[%swap3A_589, %swap3A_590, %swap3A_591], %swap3A_594 {strides = array<i32>} : memref<8x64x64xi32, #tpu.memory_space<vmem>>, vector<1x64x64xi32>,
      %reduce_sum3A_595 = vector.shape_cast %select_n3A_567 : vector<64x64xf32> to vector<1x64x64xf32>
      %reduce_sum3A_596 = arith.constant dense<0.000000e+00> : vector<1xf32>
      %reduce_sum3A_597 = vector.multi_reduction <add>, %reduce_sum3A_595, %reduce_sum3A_596 [1, 2] : vector<1x64x64xf32> to vector<1xf32>
      %reduce_sum3A_598 = vector.shape_cast %reduce_sum3A_597 : vector<1xf32> to vector<1x1x1xf32>
      %reduce_sum3A_599 = vector.extract %reduce_sum3A_598[0, 0, 0] : f32 from vector<1x1x1xf32>
      %lt3A_600 = vector.broadcast %reduce_sum3A_599 : f32 to vector<1x192xf32>
      %lt3A_601 = arith.cmpf olt, %convert_element_type3A_85, %lt3A_600 : vector<1x192xf32>
      %convert_element_type3A_602 = arith.extui %lt3A_601 : vector<1x192xi1> to vector<1x192xi32>
      %convert_element_type3A_603 = arith.sitofp %convert_element_type3A_602 : vector<1x192xi32> to vector<1x192xf32>
      %swap3A_604 = arith.constant 4 : index
      %swap3A_605 = arith.constant 0 : index
      %swap3A_606 = vector.load %arg18[%swap3A_604, %swap3A_605] : memref<8x192xf32, #tpu.memory_space<vmem>>, vector<1x192xf32>
      tpu.vector_store %arg18[%swap3A_604, %swap3A_605], %convert_element_type3A_603 {strides = array<i32>} : memref<8x192xf32, #tpu.memory_space<vmem>>, vector<1x192xf32>,
      %slice3A_607 = vector.extract_strided_slice %add3A_55 {offsets = [320, 0], sizes = [64, 256], strides = [1, 1]} : vector<512x256xf32> to vector<64x256xf32>
      %slice3A_608 = vector.extract_strided_slice %add3A_76 {offsets = [320, 0], sizes = [64, 256], strides = [1, 1]} : vector<512x256xf32> to vector<64x256xf32>
      %dot_general3A_609 = arith.constant dense<0.000000e+00> : vector<64x64xf32>
      %dot_general3A_610 = tpu.matmul %slice3A_607, %slice3A_608, %dot_general3A_609 {dimension_numbers = #tpu.dot_dimension_numbers<[1], [1], [0], [0], [0, 0, 1, 0], [], []>, transpose_lhs_hint = false} : vector<64x256xf32>, vector<64x256xf32>, vector<64x64xf32> -> vector<64x64xf32>
      %logistic3A_611 = arith.negf %dot_general3A_610 : vector<64x64xf32>
      %logistic3A_612 = math.exp %logistic3A_611 : vector<64x64xf32>
      %logistic3A_613 = arith.constant 1.000000e+00 : f32
      %logistic3A_614 = vector.broadcast %logistic3A_613 : f32 to vector<64x64xf32>
      %logistic3A_615 = arith.addf %logistic3A_614, %logistic3A_612 : vector<64x64xf32>
      %logistic3A_616 = arith.divf %logistic3A_614, %logistic3A_615 : vector<64x64xf32>
      %swap3A_617 = arith.constant 5 : index
      %swap3A_618 = arith.constant 0 : index
      %swap3A_619 = arith.constant 0 : index
      %swap3A_620 = vector.load %arg16[%swap3A_617, %swap3A_618, %swap3A_619] : memref<8x64x64xf32, #tpu.memory_space<vmem>>, vector<1x64x64xf32>
      %swap3A_621 = vector.shape_cast %swap3A_620 : vector<1x64x64xf32> to vector<64x64xf32>
      %swap3A_622 = vector.shape_cast %logistic3A_616 : vector<64x64xf32> to vector<1x64x64xf32>
      tpu.vector_store %arg16[%swap3A_617, %swap3A_618, %swap3A_619], %swap3A_622 {strides = array<i32>} : memref<8x64x64xf32, #tpu.memory_space<vmem>>, vector<1x64x64xf32>,
      %get3A_623 = arith.constant 5 : index
      %get3A_624 = memref.load %arg14[%get3A_623] : memref<8xi32, #tpu.memory_space<smem>>
      %get3A_625 = arith.constant 5 : index
      %get3A_626 = memref.load %arg15[%get3A_625] : memref<8xi32, #tpu.memory_space<smem>>
      %gt3A_627 = arith.constant 5.000000e-01 : f32
      %gt3A_628 = vector.broadcast %gt3A_627 : f32 to vector<64x64xf32>
      %gt3A_629 = arith.cmpf ogt, %logistic3A_616, %gt3A_628 : vector<64x64xf32>
      %lt3A_630 = vector.broadcast %get3A_624 : i32 to vector<64x64xi32>
      %lt3A_631 = arith.cmpi slt, %iota3A, %lt3A_630 : vector<64x64xi32>
      %and3A_632 = arith.andi %gt3A_629, %lt3A_631 : vector<64x64xi1>
      %lt3A_633 = vector.broadcast %get3A_624 : i32 to vector<64x64xi32>
      %lt3A_634 = arith.cmpi slt, %iota3A_77, %lt3A_633 : vector<64x64xi32>
      %and3A_635 = arith.andi %and3A_632, %lt3A_634 : vector<64x64xi1>
      %get3A_636 = arith.constant 5 : index
      %get3A_637 = arith.constant 0 : index
      %get3A_638 = vector.load %arg12[%get3A_636, %get3A_637] : memref<8x32xi32, #tpu.memory_space<vmem>>, vector<1x32xi32>
      %broadcast_in_dim3A_639 = vector.shape_cast %get3A_638 : vector<1x32xi32> to vector<1x32xi32>
      %broadcast_in_dim3A_640 = vector.broadcast %broadcast_in_dim3A_639 : vector<1x32xi32> to vector<64x32xi32>
      %get3A_641 = arith.constant 5 : index
      %get3A_642 = arith.constant 0 : index
      %get3A_643 = vector.load %arg13[%get3A_641, %get3A_642] : memref<8x32xi32, #tpu.memory_space<vmem>>, vector<1x32xi32>
      %broadcast_in_dim3A_644 = vector.shape_cast %get3A_643 : vector<1x32xi32> to vector<1x32xi32>
      %broadcast_in_dim3A_645 = vector.broadcast %broadcast_in_dim3A_644 : vector<1x32xi32> to vector<64x32xi32>
      %lt3A_646 = vector.broadcast %get3A_626 : i32 to vector<64x32xi32>
      %lt3A_647 = arith.cmpi slt, %iota3A_83, %lt3A_646 : vector<64x32xi32>
      %eq3A_648 = arith.cmpi eq, %iota3A_82, %broadcast_in_dim3A_640 : vector<64x32xi32>
      %eq3A_649 = arith.cmpi eq, %iota3A_82, %broadcast_in_dim3A_645 : vector<64x32xi32>
      %and3A_650 = arith.andi %eq3A_648, %lt3A_647 : vector<64x32xi1>
      %convert_element_type3A_651 = arith.extui %and3A_650 : vector<64x32xi1> to vector<64x32xi32>
      %convert_element_type3A_652 = arith.sitofp %convert_element_type3A_651 : vector<64x32xi32> to vector<64x32xf32>
      %convert_element_type3A_653 = arith.extui %eq3A_649 : vector<64x32xi1> to vector<64x32xi32>
      %convert_element_type3A_654 = arith.sitofp %convert_element_type3A_653 : vector<64x32xi32> to vector<64x32xf32>
      %dot_general3A_655 = arith.constant dense<0.000000e+00> : vector<64x64xf32>
      %dot_general3A_656 = tpu.matmul %convert_element_type3A_652, %convert_element_type3A_654, %dot_general3A_655 {dimension_numbers = #tpu.dot_dimension_numbers<[1], [1], [0], [0], [0, 0, 1, 0], [], []>, transpose_lhs_hint = false} : vector<64x32xf32>, vector<64x32xf32>, vector<64x64xf32> -> vector<64x64xf32>
      %and3A_657 = arith.andi %eq3A_649, %lt3A_647 : vector<64x32xi1>
      %convert_element_type3A_658 = arith.extui %and3A_657 : vector<64x32xi1> to vector<64x32xi32>
      %convert_element_type3A_659 = arith.sitofp %convert_element_type3A_658 : vector<64x32xi32> to vector<64x32xf32>
      %convert_element_type3A_660 = arith.extui %eq3A_648 : vector<64x32xi1> to vector<64x32xi32>
      %convert_element_type3A_661 = arith.sitofp %convert_element_type3A_660 : vector<64x32xi32> to vector<64x32xf32>
      %dot_general3A_662 = arith.constant dense<0.000000e+00> : vector<64x64xf32>
      %dot_general3A_663 = tpu.matmul %convert_element_type3A_659, %convert_element_type3A_661, %dot_general3A_662 {dimension_numbers = #tpu.dot_dimension_numbers<[1], [1], [0], [0], [0, 0, 1, 0], [], []>, transpose_lhs_hint = false} : vector<64x32xf32>, vector<64x32xf32>, vector<64x64xf32> -> vector<64x64xf32>
      %add3A_664 = arith.addf %dot_general3A_656, %dot_general3A_663 : vector<64x64xf32>
      %gt3A_665 = arith.constant 5.000000e-01 : f32
      %gt3A_666 = vector.broadcast %gt3A_665 : f32 to vector<64x64xf32>
      %gt3A_667 = arith.cmpf ogt, %add3A_664, %gt3A_666 : vector<64x64xf32>
      %or3A_668 = arith.ori %and3A_635, %gt3A_667 : vector<64x64xi1>
      %jit3A_669 = arith.constant 1.000000e+00 : f32
      %jit3A_670 = arith.constant 0.000000e+00 : f32
      %broadcast_in_dim3A_671 = vector.broadcast %jit3A_669 : f32 to vector<64x64xf32>
      %broadcast_in_dim3A_672 = vector.broadcast %jit3A_670 : f32 to vector<64x64xf32>
      %select_n3A_673 = arith.select %or3A_668, %broadcast_in_dim3A_671, %broadcast_in_dim3A_672 : vector<64x64xi1>, vector<64x64xf32>
      %dot_general3A_674 = arith.constant dense<0.000000e+00> : vector<64x64xf32>
      %dot_general3A_675 = tpu.matmul %select_n3A_673, %convert_element_type3A_79, %dot_general3A_674 {dimension_numbers = #tpu.dot_dimension_numbers<[1], [0], [0], [1], [0, 0, 1, 1], [], []>, transpose_lhs_hint = false} : vector<64x64xf32>, vector<64x64xf32>, vector<64x64xf32> -> vector<64x64xf32>
      %slice3A_676 = vector.extract_strided_slice %dot_general3A_675 {offsets = [0, 63], sizes = [64, 1], strides = [1, 1]} : vector<64x64xf32> to vector<64x1xf32>
      %dot_general3A_677 = arith.constant dense<0.000000e+00> : vector<64x1xf32>
      %dot_general3A_678 = tpu.matmul %convert_element_type3A_81, %slice3A_676, %dot_general3A_677 {dimension_numbers = #tpu.dot_dimension_numbers<[1], [0], [0], [1], [0, 0, 1, 1], [], []>, transpose_lhs_hint = false} : vector<64x64xf32>, vector<64x1xf32>, vector<64x1xf32> -> vector<64x1xf32>
      %add3A_679 = vector.broadcast %dot_general3A_678 : vector<64x1xf32> to vector<64x64xf32>
      %add3A_680 = arith.addf %add3A_679, %dot_general3A_675 : vector<64x64xf32>
      %sub3A_681 = arith.constant 1.000000e+00 : f32
      %sub3A_682 = vector.broadcast %sub3A_681 : f32 to vector<64x64xf32>
      %sub3A_683 = arith.subf %add3A_680, %sub3A_682 : vector<64x64xf32>
      %gt3A_684 = arith.constant 5.000000e-01 : f32
      %gt3A_685 = vector.broadcast %gt3A_684 : f32 to vector<64x64xf32>
      %gt3A_686 = arith.cmpf ogt, %select_n3A_673, %gt3A_685 : vector<64x64xf32>
      %lt3A_687 = arith.constant 1.720000e+02 : f32
      %lt3A_688 = vector.broadcast %lt3A_687 : f32 to vector<64x64xf32>
      %lt3A_689 = arith.cmpf olt, %sub3A_683, %lt3A_688 : vector<64x64xf32>
      %and3A_690 = arith.andi %gt3A_686, %lt3A_689 : vector<64x64xi1>
      %jit3A_691 = arith.constant 1.720000e+02 : f32
      %broadcast_in_dim3A_692 = vector.broadcast %jit3A_691 : f32 to vector<64x64xf32>
      %select_n3A_693 = arith.select %and3A_690, %sub3A_683, %broadcast_in_dim3A_692 : vector<64x64xi1>, vector<64x64xf32>
      %convert_element_type3A_694 = arith.fptosi %select_n3A_693 : vector<64x64xf32> to vector<64x64xi32>
      %swap3A_695 = arith.constant 5 : index
      %swap3A_696 = arith.constant 0 : index
      %swap3A_697 = arith.constant 0 : index
      %swap3A_698 = vector.load %arg17[%swap3A_695, %swap3A_696, %swap3A_697] : memref<8x64x64xi32, #tpu.memory_space<vmem>>, vector<1x64x64xi32>
      %swap3A_699 = vector.shape_cast %swap3A_698 : vector<1x64x64xi32> to vector<64x64xi32>
      %swap3A_700 = vector.shape_cast %convert_element_type3A_694 : vector<64x64xi32> to vector<1x64x64xi32>
      tpu.vector_store %arg17[%swap3A_695, %swap3A_696, %swap3A_697], %swap3A_700 {strides = array<i32>} : memref<8x64x64xi32, #tpu.memory_space<vmem>>, vector<1x64x64xi32>,
      %reduce_sum3A_701 = vector.shape_cast %select_n3A_673 : vector<64x64xf32> to vector<1x64x64xf32>
      %reduce_sum3A_702 = arith.constant dense<0.000000e+00> : vector<1xf32>
      %reduce_sum3A_703 = vector.multi_reduction <add>, %reduce_sum3A_701, %reduce_sum3A_702 [1, 2] : vector<1x64x64xf32> to vector<1xf32>
      %reduce_sum3A_704 = vector.shape_cast %reduce_sum3A_703 : vector<1xf32> to vector<1x1x1xf32>
      %reduce_sum3A_705 = vector.extract %reduce_sum3A_704[0, 0, 0] : f32 from vector<1x1x1xf32>
      %lt3A_706 = vector.broadcast %reduce_sum3A_705 : f32 to vector<1x192xf32>
      %lt3A_707 = arith.cmpf olt, %convert_element_type3A_85, %lt3A_706 : vector<1x192xf32>
      %convert_element_type3A_708 = arith.extui %lt3A_707 : vector<1x192xi1> to vector<1x192xi32>
      %convert_element_type3A_709 = arith.sitofp %convert_element_type3A_708 : vector<1x192xi32> to vector<1x192xf32>
      %swap3A_710 = arith.constant 5 : index
      %swap3A_711 = arith.constant 0 : index
      %swap3A_712 = vector.load %arg18[%swap3A_710, %swap3A_711] : memref<8x192xf32, #tpu.memory_space<vmem>>, vector<1x192xf32>
      tpu.vector_store %arg18[%swap3A_710, %swap3A_711], %convert_element_type3A_709 {strides = array<i32>} : memref<8x192xf32, #tpu.memory_space<vmem>>, vector<1x192xf32>,
      %slice3A_713 = vector.extract_strided_slice %add3A_55 {offsets = [384, 0], sizes = [64, 256], strides = [1, 1]} : vector<512x256xf32> to vector<64x256xf32>
      %slice3A_714 = vector.extract_strided_slice %add3A_76 {offsets = [384, 0], sizes = [64, 256], strides = [1, 1]} : vector<512x256xf32> to vector<64x256xf32>
      %dot_general3A_715 = arith.constant dense<0.000000e+00> : vector<64x64xf32>
      %dot_general3A_716 = tpu.matmul %slice3A_713, %slice3A_714, %dot_general3A_715 {dimension_numbers = #tpu.dot_dimension_numbers<[1], [1], [0], [0], [0, 0, 1, 0], [], []>, transpose_lhs_hint = false} : vector<64x256xf32>, vector<64x256xf32>, vector<64x64xf32> -> vector<64x64xf32>
      %logistic3A_717 = arith.negf %dot_general3A_716 : vector<64x64xf32>
      %logistic3A_718 = math.exp %logistic3A_717 : vector<64x64xf32>
      %logistic3A_719 = arith.constant 1.000000e+00 : f32
      %logistic3A_720 = vector.broadcast %logistic3A_719 : f32 to vector<64x64xf32>
      %logistic3A_721 = arith.addf %logistic3A_720, %logistic3A_718 : vector<64x64xf32>
      %logistic3A_722 = arith.divf %logistic3A_720, %logistic3A_721 : vector<64x64xf32>
      %swap3A_723 = arith.constant 6 : index
      %swap3A_724 = arith.constant 0 : index
      %swap3A_725 = arith.constant 0 : index
      %swap3A_726 = vector.load %arg16[%swap3A_723, %swap3A_724, %swap3A_725] : memref<8x64x64xf32, #tpu.memory_space<vmem>>, vector<1x64x64xf32>
      %swap3A_727 = vector.shape_cast %swap3A_726 : vector<1x64x64xf32> to vector<64x64xf32>
      %swap3A_728 = vector.shape_cast %logistic3A_722 : vector<64x64xf32> to vector<1x64x64xf32>
      tpu.vector_store %arg16[%swap3A_723, %swap3A_724, %swap3A_725], %swap3A_728 {strides = array<i32>} : memref<8x64x64xf32, #tpu.memory_space<vmem>>, vector<1x64x64xf32>,
      %get3A_729 = arith.constant 6 : index
      %get3A_730 = memref.load %arg14[%get3A_729] : memref<8xi32, #tpu.memory_space<smem>>
      %get3A_731 = arith.constant 6 : index
      %get3A_732 = memref.load %arg15[%get3A_731] : memref<8xi32, #tpu.memory_space<smem>>
      %gt3A_733 = arith.constant 5.000000e-01 : f32
      %gt3A_734 = vector.broadcast %gt3A_733 : f32 to vector<64x64xf32>
      %gt3A_735 = arith.cmpf ogt, %logistic3A_722, %gt3A_734 : vector<64x64xf32>
      %lt3A_736 = vector.broadcast %get3A_730 : i32 to vector<64x64xi32>
      %lt3A_737 = arith.cmpi slt, %iota3A, %lt3A_736 : vector<64x64xi32>
      %and3A_738 = arith.andi %gt3A_735, %lt3A_737 : vector<64x64xi1>
      %lt3A_739 = vector.broadcast %get3A_730 : i32 to vector<64x64xi32>
      %lt3A_740 = arith.cmpi slt, %iota3A_77, %lt3A_739 : vector<64x64xi32>
      %and3A_741 = arith.andi %and3A_738, %lt3A_740 : vector<64x64xi1>
      %get3A_742 = arith.constant 6 : index
      %get3A_743 = arith.constant 0 : index
      %get3A_744 = vector.load %arg12[%get3A_742, %get3A_743] : memref<8x32xi32, #tpu.memory_space<vmem>>, vector<1x32xi32>
      %broadcast_in_dim3A_745 = vector.shape_cast %get3A_744 : vector<1x32xi32> to vector<1x32xi32>
      %broadcast_in_dim3A_746 = vector.broadcast %broadcast_in_dim3A_745 : vector<1x32xi32> to vector<64x32xi32>
      %get3A_747 = arith.constant 6 : index
      %get3A_748 = arith.constant 0 : index
      %get3A_749 = vector.load %arg13[%get3A_747, %get3A_748] : memref<8x32xi32, #tpu.memory_space<vmem>>, vector<1x32xi32>
      %broadcast_in_dim3A_750 = vector.shape_cast %get3A_749 : vector<1x32xi32> to vector<1x32xi32>
      %broadcast_in_dim3A_751 = vector.broadcast %broadcast_in_dim3A_750 : vector<1x32xi32> to vector<64x32xi32>
      %lt3A_752 = vector.broadcast %get3A_732 : i32 to vector<64x32xi32>
      %lt3A_753 = arith.cmpi slt, %iota3A_83, %lt3A_752 : vector<64x32xi32>
      %eq3A_754 = arith.cmpi eq, %iota3A_82, %broadcast_in_dim3A_746 : vector<64x32xi32>
      %eq3A_755 = arith.cmpi eq, %iota3A_82, %broadcast_in_dim3A_751 : vector<64x32xi32>
      %and3A_756 = arith.andi %eq3A_754, %lt3A_753 : vector<64x32xi1>
      %convert_element_type3A_757 = arith.extui %and3A_756 : vector<64x32xi1> to vector<64x32xi32>
      %convert_element_type3A_758 = arith.sitofp %convert_element_type3A_757 : vector<64x32xi32> to vector<64x32xf32>
      %convert_element_type3A_759 = arith.extui %eq3A_755 : vector<64x32xi1> to vector<64x32xi32>
      %convert_element_type3A_760 = arith.sitofp %convert_element_type3A_759 : vector<64x32xi32> to vector<64x32xf32>
      %dot_general3A_761 = arith.constant dense<0.000000e+00> : vector<64x64xf32>
      %dot_general3A_762 = tpu.matmul %convert_element_type3A_758, %convert_element_type3A_760, %dot_general3A_761 {dimension_numbers = #tpu.dot_dimension_numbers<[1], [1], [0], [0], [0, 0, 1, 0], [], []>, transpose_lhs_hint = false} : vector<64x32xf32>, vector<64x32xf32>, vector<64x64xf32> -> vector<64x64xf32>
      %and3A_763 = arith.andi %eq3A_755, %lt3A_753 : vector<64x32xi1>
      %convert_element_type3A_764 = arith.extui %and3A_763 : vector<64x32xi1> to vector<64x32xi32>
      %convert_element_type3A_765 = arith.sitofp %convert_element_type3A_764 : vector<64x32xi32> to vector<64x32xf32>
      %convert_element_type3A_766 = arith.extui %eq3A_754 : vector<64x32xi1> to vector<64x32xi32>
      %convert_element_type3A_767 = arith.sitofp %convert_element_type3A_766 : vector<64x32xi32> to vector<64x32xf32>
      %dot_general3A_768 = arith.constant dense<0.000000e+00> : vector<64x64xf32>
      %dot_general3A_769 = tpu.matmul %convert_element_type3A_765, %convert_element_type3A_767, %dot_general3A_768 {dimension_numbers = #tpu.dot_dimension_numbers<[1], [1], [0], [0], [0, 0, 1, 0], [], []>, transpose_lhs_hint = false} : vector<64x32xf32>, vector<64x32xf32>, vector<64x64xf32> -> vector<64x64xf32>
      %add3A_770 = arith.addf %dot_general3A_762, %dot_general3A_769 : vector<64x64xf32>
      %gt3A_771 = arith.constant 5.000000e-01 : f32
      %gt3A_772 = vector.broadcast %gt3A_771 : f32 to vector<64x64xf32>
      %gt3A_773 = arith.cmpf ogt, %add3A_770, %gt3A_772 : vector<64x64xf32>
      %or3A_774 = arith.ori %and3A_741, %gt3A_773 : vector<64x64xi1>
      %jit3A_775 = arith.constant 1.000000e+00 : f32
      %jit3A_776 = arith.constant 0.000000e+00 : f32
      %broadcast_in_dim3A_777 = vector.broadcast %jit3A_775 : f32 to vector<64x64xf32>
      %broadcast_in_dim3A_778 = vector.broadcast %jit3A_776 : f32 to vector<64x64xf32>
      %select_n3A_779 = arith.select %or3A_774, %broadcast_in_dim3A_777, %broadcast_in_dim3A_778 : vector<64x64xi1>, vector<64x64xf32>
      %dot_general3A_780 = arith.constant dense<0.000000e+00> : vector<64x64xf32>
      %dot_general3A_781 = tpu.matmul %select_n3A_779, %convert_element_type3A_79, %dot_general3A_780 {dimension_numbers = #tpu.dot_dimension_numbers<[1], [0], [0], [1], [0, 0, 1, 1], [], []>, transpose_lhs_hint = false} : vector<64x64xf32>, vector<64x64xf32>, vector<64x64xf32> -> vector<64x64xf32>
      %slice3A_782 = vector.extract_strided_slice %dot_general3A_781 {offsets = [0, 63], sizes = [64, 1], strides = [1, 1]} : vector<64x64xf32> to vector<64x1xf32>
      %dot_general3A_783 = arith.constant dense<0.000000e+00> : vector<64x1xf32>
      %dot_general3A_784 = tpu.matmul %convert_element_type3A_81, %slice3A_782, %dot_general3A_783 {dimension_numbers = #tpu.dot_dimension_numbers<[1], [0], [0], [1], [0, 0, 1, 1], [], []>, transpose_lhs_hint = false} : vector<64x64xf32>, vector<64x1xf32>, vector<64x1xf32> -> vector<64x1xf32>
      %add3A_785 = vector.broadcast %dot_general3A_784 : vector<64x1xf32> to vector<64x64xf32>
      %add3A_786 = arith.addf %add3A_785, %dot_general3A_781 : vector<64x64xf32>
      %sub3A_787 = arith.constant 1.000000e+00 : f32
      %sub3A_788 = vector.broadcast %sub3A_787 : f32 to vector<64x64xf32>
      %sub3A_789 = arith.subf %add3A_786, %sub3A_788 : vector<64x64xf32>
      %gt3A_790 = arith.constant 5.000000e-01 : f32
      %gt3A_791 = vector.broadcast %gt3A_790 : f32 to vector<64x64xf32>
      %gt3A_792 = arith.cmpf ogt, %select_n3A_779, %gt3A_791 : vector<64x64xf32>
      %lt3A_793 = arith.constant 1.720000e+02 : f32
      %lt3A_794 = vector.broadcast %lt3A_793 : f32 to vector<64x64xf32>
      %lt3A_795 = arith.cmpf olt, %sub3A_789, %lt3A_794 : vector<64x64xf32>
      %and3A_796 = arith.andi %gt3A_792, %lt3A_795 : vector<64x64xi1>
      %jit3A_797 = arith.constant 1.720000e+02 : f32
      %broadcast_in_dim3A_798 = vector.broadcast %jit3A_797 : f32 to vector<64x64xf32>
      %select_n3A_799 = arith.select %and3A_796, %sub3A_789, %broadcast_in_dim3A_798 : vector<64x64xi1>, vector<64x64xf32>
      %convert_element_type3A_800 = arith.fptosi %select_n3A_799 : vector<64x64xf32> to vector<64x64xi32>
      %swap3A_801 = arith.constant 6 : index
      %swap3A_802 = arith.constant 0 : index
      %swap3A_803 = arith.constant 0 : index
      %swap3A_804 = vector.load %arg17[%swap3A_801, %swap3A_802, %swap3A_803] : memref<8x64x64xi32, #tpu.memory_space<vmem>>, vector<1x64x64xi32>
      %swap3A_805 = vector.shape_cast %swap3A_804 : vector<1x64x64xi32> to vector<64x64xi32>
      %swap3A_806 = vector.shape_cast %convert_element_type3A_800 : vector<64x64xi32> to vector<1x64x64xi32>
      tpu.vector_store %arg17[%swap3A_801, %swap3A_802, %swap3A_803], %swap3A_806 {strides = array<i32>} : memref<8x64x64xi32, #tpu.memory_space<vmem>>, vector<1x64x64xi32>,
      %reduce_sum3A_807 = vector.shape_cast %select_n3A_779 : vector<64x64xf32> to vector<1x64x64xf32>
      %reduce_sum3A_808 = arith.constant dense<0.000000e+00> : vector<1xf32>
      %reduce_sum3A_809 = vector.multi_reduction <add>, %reduce_sum3A_807, %reduce_sum3A_808 [1, 2] : vector<1x64x64xf32> to vector<1xf32>
      %reduce_sum3A_810 = vector.shape_cast %reduce_sum3A_809 : vector<1xf32> to vector<1x1x1xf32>
      %reduce_sum3A_811 = vector.extract %reduce_sum3A_810[0, 0, 0] : f32 from vector<1x1x1xf32>
      %lt3A_812 = vector.broadcast %reduce_sum3A_811 : f32 to vector<1x192xf32>
      %lt3A_813 = arith.cmpf olt, %convert_element_type3A_85, %lt3A_812 : vector<1x192xf32>
      %convert_element_type3A_814 = arith.extui %lt3A_813 : vector<1x192xi1> to vector<1x192xi32>
      %convert_element_type3A_815 = arith.sitofp %convert_element_type3A_814 : vector<1x192xi32> to vector<1x192xf32>
      %swap3A_816 = arith.constant 6 : index
      %swap3A_817 = arith.constant 0 : index
      %swap3A_818 = vector.load %arg18[%swap3A_816, %swap3A_817] : memref<8x192xf32, #tpu.memory_space<vmem>>, vector<1x192xf32>
      tpu.vector_store %arg18[%swap3A_816, %swap3A_817], %convert_element_type3A_815 {strides = array<i32>} : memref<8x192xf32, #tpu.memory_space<vmem>>, vector<1x192xf32>,
      %slice3A_819 = vector.extract_strided_slice %add3A_55 {offsets = [448, 0], sizes = [64, 256], strides = [1, 1]} : vector<512x256xf32> to vector<64x256xf32>
      %slice3A_820 = vector.extract_strided_slice %add3A_76 {offsets = [448, 0], sizes = [64, 256], strides = [1, 1]} : vector<512x256xf32> to vector<64x256xf32>
      %dot_general3A_821 = arith.constant dense<0.000000e+00> : vector<64x64xf32>
      %dot_general3A_822 = tpu.matmul %slice3A_819, %slice3A_820, %dot_general3A_821 {dimension_numbers = #tpu.dot_dimension_numbers<[1], [1], [0], [0], [0, 0, 1, 0], [], []>, transpose_lhs_hint = false} : vector<64x256xf32>, vector<64x256xf32>, vector<64x64xf32> -> vector<64x64xf32>
      %logistic3A_823 = arith.negf %dot_general3A_822 : vector<64x64xf32>
      %logistic3A_824 = math.exp %logistic3A_823 : vector<64x64xf32>
      %logistic3A_825 = arith.constant 1.000000e+00 : f32
      %logistic3A_826 = vector.broadcast %logistic3A_825 : f32 to vector<64x64xf32>
      %logistic3A_827 = arith.addf %logistic3A_826, %logistic3A_824 : vector<64x64xf32>
      %logistic3A_828 = arith.divf %logistic3A_826, %logistic3A_827 : vector<64x64xf32>
      %swap3A_829 = arith.constant 7 : index
      %swap3A_830 = arith.constant 0 : index
      %swap3A_831 = arith.constant 0 : index
      %swap3A_832 = vector.load %arg16[%swap3A_829, %swap3A_830, %swap3A_831] : memref<8x64x64xf32, #tpu.memory_space<vmem>>, vector<1x64x64xf32>
      %swap3A_833 = vector.shape_cast %swap3A_832 : vector<1x64x64xf32> to vector<64x64xf32>
      %swap3A_834 = vector.shape_cast %logistic3A_828 : vector<64x64xf32> to vector<1x64x64xf32>
      tpu.vector_store %arg16[%swap3A_829, %swap3A_830, %swap3A_831], %swap3A_834 {strides = array<i32>} : memref<8x64x64xf32, #tpu.memory_space<vmem>>, vector<1x64x64xf32>,
      %get3A_835 = arith.constant 7 : index
      %get3A_836 = memref.load %arg14[%get3A_835] : memref<8xi32, #tpu.memory_space<smem>>
      %get3A_837 = arith.constant 7 : index
      %get3A_838 = memref.load %arg15[%get3A_837] : memref<8xi32, #tpu.memory_space<smem>>
      %gt3A_839 = arith.constant 5.000000e-01 : f32
      %gt3A_840 = vector.broadcast %gt3A_839 : f32 to vector<64x64xf32>
      %gt3A_841 = arith.cmpf ogt, %logistic3A_828, %gt3A_840 : vector<64x64xf32>
      %lt3A_842 = vector.broadcast %get3A_836 : i32 to vector<64x64xi32>
      %lt3A_843 = arith.cmpi slt, %iota3A, %lt3A_842 : vector<64x64xi32>
      %and3A_844 = arith.andi %gt3A_841, %lt3A_843 : vector<64x64xi1>
      %lt3A_845 = vector.broadcast %get3A_836 : i32 to vector<64x64xi32>
      %lt3A_846 = arith.cmpi slt, %iota3A_77, %lt3A_845 : vector<64x64xi32>
      %and3A_847 = arith.andi %and3A_844, %lt3A_846 : vector<64x64xi1>
      %get3A_848 = arith.constant 7 : index
      %get3A_849 = arith.constant 0 : index
      %get3A_850 = vector.load %arg12[%get3A_848, %get3A_849] : memref<8x32xi32, #tpu.memory_space<vmem>>, vector<1x32xi32>
      %broadcast_in_dim3A_851 = vector.shape_cast %get3A_850 : vector<1x32xi32> to vector<1x32xi32>
      %broadcast_in_dim3A_852 = vector.broadcast %broadcast_in_dim3A_851 : vector<1x32xi32> to vector<64x32xi32>
      %get3A_853 = arith.constant 7 : index
      %get3A_854 = arith.constant 0 : index
      %get3A_855 = vector.load %arg13[%get3A_853, %get3A_854] : memref<8x32xi32, #tpu.memory_space<vmem>>, vector<1x32xi32>
      %broadcast_in_dim3A_856 = vector.shape_cast %get3A_855 : vector<1x32xi32> to vector<1x32xi32>
      %broadcast_in_dim3A_857 = vector.broadcast %broadcast_in_dim3A_856 : vector<1x32xi32> to vector<64x32xi32>
      %lt3A_858 = vector.broadcast %get3A_838 : i32 to vector<64x32xi32>
      %lt3A_859 = arith.cmpi slt, %iota3A_83, %lt3A_858 : vector<64x32xi32>
      %eq3A_860 = arith.cmpi eq, %iota3A_82, %broadcast_in_dim3A_852 : vector<64x32xi32>
      %eq3A_861 = arith.cmpi eq, %iota3A_82, %broadcast_in_dim3A_857 : vector<64x32xi32>
      %and3A_862 = arith.andi %eq3A_860, %lt3A_859 : vector<64x32xi1>
      %convert_element_type3A_863 = arith.extui %and3A_862 : vector<64x32xi1> to vector<64x32xi32>
      %convert_element_type3A_864 = arith.sitofp %convert_element_type3A_863 : vector<64x32xi32> to vector<64x32xf32>
      %convert_element_type3A_865 = arith.extui %eq3A_861 : vector<64x32xi1> to vector<64x32xi32>
      %convert_element_type3A_866 = arith.sitofp %convert_element_type3A_865 : vector<64x32xi32> to vector<64x32xf32>
      %dot_general3A_867 = arith.constant dense<0.000000e+00> : vector<64x64xf32>
      %dot_general3A_868 = tpu.matmul %convert_element_type3A_864, %convert_element_type3A_866, %dot_general3A_867 {dimension_numbers = #tpu.dot_dimension_numbers<[1], [1], [0], [0], [0, 0, 1, 0], [], []>, transpose_lhs_hint = false} : vector<64x32xf32>, vector<64x32xf32>, vector<64x64xf32> -> vector<64x64xf32>
      %and3A_869 = arith.andi %eq3A_861, %lt3A_859 : vector<64x32xi1>
      %convert_element_type3A_870 = arith.extui %and3A_869 : vector<64x32xi1> to vector<64x32xi32>
      %convert_element_type3A_871 = arith.sitofp %convert_element_type3A_870 : vector<64x32xi32> to vector<64x32xf32>
      %convert_element_type3A_872 = arith.extui %eq3A_860 : vector<64x32xi1> to vector<64x32xi32>
      %convert_element_type3A_873 = arith.sitofp %convert_element_type3A_872 : vector<64x32xi32> to vector<64x32xf32>
      %dot_general3A_874 = arith.constant dense<0.000000e+00> : vector<64x64xf32>
      %dot_general3A_875 = tpu.matmul %convert_element_type3A_871, %convert_element_type3A_873, %dot_general3A_874 {dimension_numbers = #tpu.dot_dimension_numbers<[1], [1], [0], [0], [0, 0, 1, 0], [], []>, transpose_lhs_hint = false} : vector<64x32xf32>, vector<64x32xf32>, vector<64x64xf32> -> vector<64x64xf32>
      %add3A_876 = arith.addf %dot_general3A_868, %dot_general3A_875 : vector<64x64xf32>
      %gt3A_877 = arith.constant 5.000000e-01 : f32
      %gt3A_878 = vector.broadcast %gt3A_877 : f32 to vector<64x64xf32>
      %gt3A_879 = arith.cmpf ogt, %add3A_876, %gt3A_878 : vector<64x64xf32>
      %or3A_880 = arith.ori %and3A_847, %gt3A_879 : vector<64x64xi1>
      %jit3A_881 = arith.constant 1.000000e+00 : f32
      %jit3A_882 = arith.constant 0.000000e+00 : f32
      %broadcast_in_dim3A_883 = vector.broadcast %jit3A_881 : f32 to vector<64x64xf32>
      %broadcast_in_dim3A_884 = vector.broadcast %jit3A_882 : f32 to vector<64x64xf32>
      %select_n3A_885 = arith.select %or3A_880, %broadcast_in_dim3A_883, %broadcast_in_dim3A_884 : vector<64x64xi1>, vector<64x64xf32>
      %dot_general3A_886 = arith.constant dense<0.000000e+00> : vector<64x64xf32>
      %dot_general3A_887 = tpu.matmul %select_n3A_885, %convert_element_type3A_79, %dot_general3A_886 {dimension_numbers = #tpu.dot_dimension_numbers<[1], [0], [0], [1], [0, 0, 1, 1], [], []>, transpose_lhs_hint = false} : vector<64x64xf32>, vector<64x64xf32>, vector<64x64xf32> -> vector<64x64xf32>
      %slice3A_888 = vector.extract_strided_slice %dot_general3A_887 {offsets = [0, 63], sizes = [64, 1], strides = [1, 1]} : vector<64x64xf32> to vector<64x1xf32>
      %dot_general3A_889 = arith.constant dense<0.000000e+00> : vector<64x1xf32>
      %dot_general3A_890 = tpu.matmul %convert_element_type3A_81, %slice3A_888, %dot_general3A_889 {dimension_numbers = #tpu.dot_dimension_numbers<[1], [0], [0], [1], [0, 0, 1, 1], [], []>, transpose_lhs_hint = false} : vector<64x64xf32>, vector<64x1xf32>, vector<64x1xf32> -> vector<64x1xf32>
      %add3A_891 = vector.broadcast %dot_general3A_890 : vector<64x1xf32> to vector<64x64xf32>
      %add3A_892 = arith.addf %add3A_891, %dot_general3A_887 : vector<64x64xf32>
      %sub3A_893 = arith.constant 1.000000e+00 : f32
      %sub3A_894 = vector.broadcast %sub3A_893 : f32 to vector<64x64xf32>
      %sub3A_895 = arith.subf %add3A_892, %sub3A_894 : vector<64x64xf32>
      %gt3A_896 = arith.constant 5.000000e-01 : f32
      %gt3A_897 = vector.broadcast %gt3A_896 : f32 to vector<64x64xf32>
      %gt3A_898 = arith.cmpf ogt, %select_n3A_885, %gt3A_897 : vector<64x64xf32>
      %lt3A_899 = arith.constant 1.720000e+02 : f32
      %lt3A_900 = vector.broadcast %lt3A_899 : f32 to vector<64x64xf32>
      %lt3A_901 = arith.cmpf olt, %sub3A_895, %lt3A_900 : vector<64x64xf32>
      %and3A_902 = arith.andi %gt3A_898, %lt3A_901 : vector<64x64xi1>
      %jit3A_903 = arith.constant 1.720000e+02 : f32
      %broadcast_in_dim3A_904 = vector.broadcast %jit3A_903 : f32 to vector<64x64xf32>
      %select_n3A_905 = arith.select %and3A_902, %sub3A_895, %broadcast_in_dim3A_904 : vector<64x64xi1>, vector<64x64xf32>
      %convert_element_type3A_906 = arith.fptosi %select_n3A_905 : vector<64x64xf32> to vector<64x64xi32>
      %swap3A_907 = arith.constant 7 : index
      %swap3A_908 = arith.constant 0 : index
      %swap3A_909 = arith.constant 0 : index
      %swap3A_910 = vector.load %arg17[%swap3A_907, %swap3A_908, %swap3A_909] : memref<8x64x64xi32, #tpu.memory_space<vmem>>, vector<1x64x64xi32>
      %swap3A_911 = vector.shape_cast %swap3A_910 : vector<1x64x64xi32> to vector<64x64xi32>
      %swap3A_912 = vector.shape_cast %convert_element_type3A_906 : vector<64x64xi32> to vector<1x64x64xi32>
      tpu.vector_store %arg17[%swap3A_907, %swap3A_908, %swap3A_909], %swap3A_912 {strides = array<i32>} : memref<8x64x64xi32, #tpu.memory_space<vmem>>, vector<1x64x64xi32>,
      %reduce_sum3A_913 = vector.shape_cast %select_n3A_885 : vector<64x64xf32> to vector<1x64x64xf32>
      %reduce_sum3A_914 = arith.constant dense<0.000000e+00> : vector<1xf32>
      %reduce_sum3A_915 = vector.multi_reduction <add>, %reduce_sum3A_913, %reduce_sum3A_914 [1, 2] : vector<1x64x64xf32> to vector<1xf32>
      %reduce_sum3A_916 = vector.shape_cast %reduce_sum3A_915 : vector<1xf32> to vector<1x1x1xf32>
      %reduce_sum3A_917 = vector.extract %reduce_sum3A_916[0, 0, 0] : f32 from vector<1x1x1xf32>
      %lt3A_918 = vector.broadcast %reduce_sum3A_917 : f32 to vector<1x192xf32>
      %lt3A_919 = arith.cmpf olt, %convert_element_type3A_85, %lt3A_918 : vector<1x192xf32>
      %convert_element_type3A_920 = arith.extui %lt3A_919 : vector<1x192xi1> to vector<1x192xi32>
      %convert_element_type3A_921 = arith.sitofp %convert_element_type3A_920 : vector<1x192xi32> to vector<1x192xf32>
      %swap3A_922 = arith.constant 7 : index
      %swap3A_923 = arith.constant 0 : index
      %swap3A_924 = vector.load %arg18[%swap3A_922, %swap3A_923] : memref<8x192xf32, #tpu.memory_space<vmem>>, vector<1x192xf32>
      tpu.vector_store %arg18[%swap3A_922, %swap3A_923], %convert_element_type3A_921 {strides = array<i32>} : memref<8x192xf32, #tpu.memory_space<vmem>>, vector<1x192xf32>,
    } else {
    }
    return
  }
  func.func @transform_0(%arg0: i32) -> (i32, i32) {
    %c0_i32 = arith.constant 0 : i32
    %c0_i32_0 = arith.constant 0 : i32
    return %c0_i32, %arg0 : i32, i32
  }
  func.func @transform_1(%arg0: i32) -> (i32, i32) {
    %c0_i32 = arith.constant 0 : i32
    %c0_i32_0 = arith.constant 0 : i32
    return %arg0, %c0_i32 : i32, i32
  }
  func.func @transform_2(%arg0: i32) -> (i32, i32) {
    %c0_i32 = arith.constant 0 : i32
    %c0_i32_0 = arith.constant 0 : i32
    %c0_i32_1 = arith.constant 0 : i32
    return %c0_i32, %c0_i32_0 : i32, i32
  }
  func.func @transform_3(%arg0: i32) -> (i32, i32) {
    %c0_i32 = arith.constant 0 : i32
    %c0_i32_0 = arith.constant 0 : i32
    %c0_i32_1 = arith.constant 0 : i32
    return %c0_i32, %c0_i32_0 : i32, i32
  }
  func.func @transform_4(%arg0: i32) -> (i32, i32) {
    %c0_i32 = arith.constant 0 : i32
    %c0_i32_0 = arith.constant 0 : i32
    %c0_i32_1 = arith.constant 0 : i32
    return %c0_i32, %c0_i32_0 : i32, i32
  }
  func.func @transform_5(%arg0: i32) -> (i32, i32) {
    %c0_i32 = arith.constant 0 : i32
    %c0_i32_0 = arith.constant 0 : i32
    return %arg0, %c0_i32 : i32, i32
  }
  func.func @transform_6(%arg0: i32) -> (i32, i32) {
    %c0_i32 = arith.constant 0 : i32
    %c0_i32_0 = arith.constant 0 : i32
    %c0_i32_1 = arith.constant 0 : i32
    return %c0_i32, %c0_i32_0 : i32, i32
  }
  func.func @transform_7(%arg0: i32) -> (i32, i32) {
    %c0_i32 = arith.constant 0 : i32
    %c0_i32_0 = arith.constant 0 : i32
    %c0_i32_1 = arith.constant 0 : i32
    return %c0_i32, %c0_i32_0 : i32, i32
  }
  func.func @transform_8(%arg0: i32) -> (i32, i32) {
    %c0_i32 = arith.constant 0 : i32
    %c0_i32_0 = arith.constant 0 : i32
    %c0_i32_1 = arith.constant 0 : i32
    return %c0_i32, %c0_i32_0 : i32, i32
  }
  func.func @transform_9(%arg0: i32) -> (i32, i32) {
    %c0_i32 = arith.constant 0 : i32
    %c0_i32_0 = arith.constant 0 : i32
    return %arg0, %c0_i32 : i32, i32
  }
  func.func @transform_10(%arg0: i32) -> (i32, i32) {
    %c0_i32 = arith.constant 0 : i32
    %c0_i32_0 = arith.constant 0 : i32
    %c0_i32_1 = arith.constant 0 : i32
    return %c0_i32, %c0_i32_0 : i32, i32
  }
  func.func @transform_11(%arg0: i32) -> (i32, i32) {
    %c0_i32 = arith.constant 0 : i32
    %c0_i32_0 = arith.constant 0 : i32
    %c0_i32_1 = arith.constant 0 : i32
    return %c0_i32, %c0_i32_0 : i32, i32
  }
  func.func @transform_12(%arg0: i32) -> (i32, i32) {
    %c0_i32 = arith.constant 0 : i32
    %c0_i32_0 = arith.constant 0 : i32
    %c0_i32_1 = arith.constant 0 : i32
    return %c0_i32, %c0_i32_0 : i32, i32
  }
  func.func @transform_13(%arg0: i32) -> i32 {
    %c0_i32 = arith.constant 0 : i32
    %c0_i32_0 = arith.constant 0 : i32
    return %c0_i32 : i32
  }
  func.func @transform_14(%arg0: i32) -> i32 {
    %c0_i32 = arith.constant 0 : i32
    %c0_i32_0 = arith.constant 0 : i32
    return %c0_i32 : i32
  }
  func.func @transform_15(%arg0: i32) -> (i32, i32, i32) {
    %c0_i32 = arith.constant 0 : i32
    %c0_i32_0 = arith.constant 0 : i32
    %c0_i32_1 = arith.constant 0 : i32
    %c0_i32_2 = arith.constant 0 : i32
    return %c0_i32, %c0_i32_0, %c0_i32_1 : i32, i32, i32
  }
  func.func @transform_16(%arg0: i32) -> (i32, i32, i32) {
    %c0_i32 = arith.constant 0 : i32
    %c0_i32_0 = arith.constant 0 : i32
    %c0_i32_1 = arith.constant 0 : i32
    %c0_i32_2 = arith.constant 0 : i32
    return %c0_i32, %c0_i32_0, %c0_i32_1 : i32, i32, i32
  }
  func.func @transform_17(%arg0: i32) -> (i32, i32) {
    %c0_i32 = arith.constant 0 : i32
    %c0_i32_0 = arith.constant 0 : i32
    %c0_i32_1 = arith.constant 0 : i32
    return %c0_i32, %c0_i32_0 : i32, i32
  }
  func.func @transform_18(%arg0: i32) -> (i32, i32) {
    %c0_i32 = arith.constant 0 : i32
    %c0_i32_0 = arith.constant 0 : i32
    %c0_i32_1 = arith.constant 0 : i32
    return %c0_i32, %c0_i32_0 : i32, i32
  }
}

module attributes {stable_mosaic.version = 14 : i64} {
  func.func @_rel_body(%arg0: i32, %arg1: memref<256x1024xf32, #tpu.memory_space<vmem>>, %arg2: memref<1024x512xf32, #tpu.memory_space<vmem>>, %arg3: memref<1x512xf32, #tpu.memory_space<vmem>>, %arg4: memref<256x1xf32, #tpu.memory_space<vmem>>, %arg5: memref<256x512xf32, #tpu.memory_space<vmem>>) attributes {dimension_semantics = [#tpu.dimension_semantics<arbitrary>], iteration_bounds = array<i64: 6>, scalar_prefetch = 0 : i64, scratch_operands = 0 : i64, tpu.core_type = #tpu.core_type<tc>, window_params = [{transform_indices = @transform_0, window_bounds = array<i64: 256, 1024>}, {pipeline_mode = #tpu.pipeline_mode<synchronous>, transform_indices = @transform_1, window_bounds = array<i64: 1024, 512>}, {pipeline_mode = #tpu.pipeline_mode<synchronous>, transform_indices = @transform_2, window_bounds = array<i64: 1, 512>}, {transform_indices = @transform_3, window_bounds = array<i64: 256, 1>}, {transform_indices = @transform_4, window_bounds = array<i64: 256, 512>}]} {
    %get3A = arith.constant 0 : index
    %get3A_0 = arith.constant 0 : index
    %get3A_1 = vector.load %arg1[%get3A, %get3A_0] : memref<256x1024xf32, #tpu.memory_space<vmem>>, vector<256x1024xf32>
    %get3A_2 = arith.constant 0 : index
    %get3A_3 = arith.constant 0 : index
    %get3A_4 = vector.load %arg2[%get3A_2, %get3A_3] : memref<1024x512xf32, #tpu.memory_space<vmem>>, vector<1024x512xf32>
    %dot_general3A = arith.constant dense<0.000000e+00> : vector<256x512xf32>
    %dot_general3A_5 = tpu.matmul %get3A_1, %get3A_4, %dot_general3A {dimension_numbers = #tpu.dot_dimension_numbers<[1], [0], [0], [1], [0, 0, 1, 1], [], []>, transpose_lhs_hint = false} : vector<256x1024xf32>, vector<1024x512xf32>, vector<256x512xf32> -> vector<256x512xf32>
    %get3A_6 = arith.constant 0 : index
    %get3A_7 = arith.constant 0 : index
    %get3A_8 = vector.load %arg3[%get3A_6, %get3A_7] : memref<1x512xf32, #tpu.memory_space<vmem>>, vector<1x512xf32>
    %add3A = vector.broadcast %get3A_8 : vector<1x512xf32> to vector<256x512xf32>
    %add3A_9 = arith.addf %dot_general3A_5, %add3A : vector<256x512xf32>
    %get3A_10 = arith.constant 0 : index
    %get3A_11 = arith.constant 0 : index
    %get3A_12 = vector.load %arg4[%get3A_10, %get3A_11] : memref<256x1xf32, #tpu.memory_space<vmem>>, vector<256x1xf32>
    %mul3A = vector.broadcast %get3A_12 : vector<256x1xf32> to vector<256x512xf32>
    %mul3A_13 = arith.mulf %add3A_9, %mul3A : vector<256x512xf32>
    %swap3A = arith.constant 0 : index
    %swap3A_14 = arith.constant 0 : index
    %swap3A_15 = vector.load %arg5[%swap3A, %swap3A_14] : memref<256x512xf32, #tpu.memory_space<vmem>>, vector<256x512xf32>
    tpu.vector_store %arg5[%swap3A, %swap3A_14], %mul3A_13 {strides = array<i32>} : memref<256x512xf32, #tpu.memory_space<vmem>>, vector<256x512xf32>,
    return
  }
  func.func @transform_0(%arg0: i32) -> (i32, i32) {
    %c0_i32 = arith.constant 0 : i32
    %c0_i32_0 = arith.constant 0 : i32
    return %arg0, %c0_i32 : i32, i32
  }
  func.func @transform_1(%arg0: i32) -> (i32, i32) {
    %c0_i32 = arith.constant 0 : i32
    %c0_i32_0 = arith.constant 0 : i32
    %c0_i32_1 = arith.constant 0 : i32
    return %c0_i32, %c0_i32_0 : i32, i32
  }
  func.func @transform_2(%arg0: i32) -> (i32, i32) {
    %c0_i32 = arith.constant 0 : i32
    %c0_i32_0 = arith.constant 0 : i32
    %c0_i32_1 = arith.constant 0 : i32
    return %c0_i32, %c0_i32_0 : i32, i32
  }
  func.func @transform_3(%arg0: i32) -> (i32, i32) {
    %c0_i32 = arith.constant 0 : i32
    %c0_i32_0 = arith.constant 0 : i32
    return %arg0, %c0_i32 : i32, i32
  }
  func.func @transform_4(%arg0: i32) -> (i32, i32) {
    %c0_i32 = arith.constant 0 : i32
    %c0_i32_0 = arith.constant 0 : i32
    return %arg0, %c0_i32 : i32, i32
  }
}

</mosaic_0001>

<sc_bundles>
// kernel: kernel.5.cloned.1.call-start
scs
__scs_entry_jumppad:
0x0: {  	(pc) =	sbr.rel $0x88, $3  }
0x1: {  	(tag) =	ssettag $0x0;
	lr =	simm.s32 $0x1  }
0x2: {  	[smem:$0x3F90] =	sst lr;
	_ =	strace $0xD0000000  }
0x3: {  	_ = 	snop  }
0x4: {  	_ = 	snop  }
0x5: {  	_ = 	snop  }
0x6: {  	_ = 	snop  }
0x7: {  	_ = 	snop  }
__scs_overlays_trampoline_lowered:
0x8: {  	[smem:$0x3F9F] =	sst s0  }
0x9: {  	[smem:$0x3FA0] =	sst s1  }
0xa: {  	[smem:$0x3FA1] =	sst s2  }
0xb: {  	[smem:$0x3FA2] =	sst s3  }
0xc: {  	[smem:$0x3FA3] =	sst s4  }
0xd: {  	[smem:$0x3FA4] =	sst s5  }
0xe: {  	[smem:$0x3FA5] =	sst s6  }
0xf: {  	[smem:$0x3FA6] =	sst s7  }
0x10: {  	[smem:$0x3FA7] =	sst s8  }
0x11: {  	[smem:$0x3FA8] =	sst s9;
	s0 =	simm.s32 @!p0 $0x0  }
0x12: {  	s1 =	sld [smem:$0x3F8E];
	s0 =	simm.s32 @p0 $0x1  }
0x13: {  	[smem:$0x3FA9] =	sst s0;
	s0 =	simm.s32 @!p1 $0x0  }
0x14: {  	s2 =	sld [smem:$0x3F8D];
	s0 =	simm.s32 @p1 $0x1  }
0x15: {  	[smem:$0x3FAA] =	sst s0;
	s0 =	simm.s32 @!p2 $0x0  }
0x16: {  	s3 =	sld [smem:$0x3FDB];
	s0 =	simm.s32 @p2 $0x1  }
0x17: {  	s4 =	simm.s32 $0x1BF5;
	[smem:$0x3FAC] =	sst s0  }
0x18: {  	s0 =	sld [smem:$0x3F8F];
	_ =	swait.ge [sflag:s4], $0x0  }
0x19: {  	s7 =	sld [smem:$0x3F90]  }
0x1a: {  	s8 =	sadd.s32 $0xFFFFE003, lr  }
0x1b: {  	s9 =	sadd.s32 $0xFFFFFEF7, lr;
	s5 =	simm.s32 $0xFFFFFFFF;
	p2 =	slt.u32 s8, $0xFFFFF086  }
0x1c: {  	p1 =	slt.u32 s9, $0xF7A;
	s5 =	simm.s32 @!p2 $0x0  }
0x1d: {  	s5 =	simm.s32 @p1 $0x1;
	p0 =	seq.s32 s7, s2  }
0x1e: {  	s7 =	smul.u32 @!p0 $0xF7A, s2;
	p2 =	seq.s32 @!p0 s5, $0x0  }
0x1f: {  	s9 =	smul.u32 $0xF7A, s1;
	s8 =	simm.s32 @!p0 $0x1BF5;
	p2 =	por !p2, p0  }
0x20: {  	[sflag:s8] =	ssyncset.s32 @!p0 $0xFFFFF086;
	s6 =	sadd.s32 @!p0 s3, s7;
	s7 =	simm.s32 @!p0 $0x108  }
0x21: {  	s3 =	sadd.s32 s3, s9;
	s6 =	sadd.s32 @!p0 $0x88, s6;
	s7 =	simm.s32 @p2 $0x1082  }
0x22: {  	[simem:s7], [sflag:s8] =	dma.local @!p0 [hbm:s6], $0xF7A  }
0x23: {  	s9 =	sor.u32 $0xD0000000, s2;
	s6 =	simm.s32 $0x108;
	_ =	swait.ge @!p0 [sflag:s8], $0x0  }
0x24: {  	s3 =	sadd.s32 $0x88, s3;
	s6 =	simm.s32 @!p1 $0x1082;
	[sflag:s4] =	ssyncset.s32 $0xFFFFF086  }
0x25: {  	[simem:s6], [sflag:s4] =	dma.local [hbm:s3], $0xF7A  }
0x26: {  	[smem:$0x3F90] =	sst s1;
	(tag) =	ssettag s2;
	_ =	strace s9  }
0x27: {  	s1 =	sld [smem:$0x3FA0]  }
0x28: {  	s2 =	sld [smem:$0x3FA1]  }
0x29: {  	s4 =	sld [smem:$0x3FA3]  }
0x2a: {  	p0 =	seq.s32 s5, $0x0;
	s5 =	sld [smem:$0x3FA4]  }
0x2b: {  	s6 =	sld [smem:$0x3FA5]  }
0x2c: {  	s7 =	sld [smem:$0x3FA6]  }
0x2d: {  	s3 =	simm.s32 $0x108;
	s8 =	sld [smem:$0x3FA7]  }
0x2e: {  	s3 =	simm.s32 @!p0 $0x1082;
	s9 =	sld [smem:$0x3FA8]  }
0x2f: {  	lr =	sadd.s32 s0, s3;
	s0 =	sld [smem:$0x3F9F]  }
0x30: {  	s3 =	sld [smem:$0x3FA2]  }
0x31: {  	[smem:$0x3FAB] =	sst s10  }
0x32: {  	s10 =	sld [smem:$0x3FA9];
	_ =	sdelay $0x3  }
0x33: {  	p0 =	seq.s32 s10, $0x1;
	s10 =	sld [smem:$0x3FAB];
	_ =	sdelay $0x3  }
0x34: {  	[smem:$0x3FAB] =	sst s10  }
0x35: {  	s10 =	sld [smem:$0x3FAA];
	_ =	sdelay $0x3  }
0x36: {  	p1 =	seq.s32 s10, $0x1;
	s10 =	sld [smem:$0x3FAB];
	_ =	sdelay $0x3  }
0x37: {  	[smem:$0x3FAB] =	sst s10  }
0x38: {  	s10 =	sld [smem:$0x3FAC]  }
0x39: {  	_ = 	snop;
	(pc) =	sbr.ind lr, $3  }
0x3a: {  	_ = 	snop  }
0x3b: {  	_ = 	snop  }
0x3c: {  	p2 =	seq.s32 s10, $0x1;
	s10 =	sld [smem:$0x3FAB]  }
0x3d: {  	_ =	shalt  }
0x3e: {  	_ =	shalt  }
0x3f: {  	_ =	shalt  }
0x40: {  	_ =	shalt  }
0x41: {  	_ =	shalt  }
0x42: {  	_ =	shalt  }
0x43: {  	_ =	shalt  }
0x44: {  	_ =	shalt  }
0x45: {  	_ =	shalt  }
0x46: {  	_ =	shalt  }
0x47: {  	_ =	shalt  }
0x48: {  	_ =	shalt  }
0x49: {  	_ =	shalt  }
0x4a: {  	_ =	shalt  }
0x4b: {  	_ =	shalt  }
0x4c: {  	_ =	shalt  }
0x4d: {  	_ =	shalt  }
0x4e: {  	_ =	shalt  }
0x4f: {  	_ =	shalt  }
0x50: {  	_ =	shalt  }
0x51: {  	_ =	shalt  }
0x52: {  	_ =	shalt  }
0x53: {  	_ =	shalt  }
0x54: {  	_ =	shalt  }
0x55: {  	_ =	shalt  }
0x56: {  	_ =	shalt  }
0x57: {  	_ =	shalt  }
0x58: {  	_ =	shalt  }
0x59: {  	_ =	shalt  }
0x5a: {  	_ =	shalt  }
0x5b: {  	_ =	shalt  }
0x5c: {  	_ =	shalt  }
0x5d: {  	_ =	shalt  }
0x5e: {  	_ =	shalt  }
0x5f: {  	_ =	shalt  }
0x60: {  	_ =	shalt  }
0x61: {  	_ =	shalt  }
0x62: {  	_ =	shalt  }
0x63: {  	_ =	shalt  }
0x64: {  	_ =	shalt  }
0x65: {  	_ =	shalt  }
0x66: {  	_ =	shalt  }
0x67: {  	_ =	shalt  }
0x68: {  	_ =	shalt  }
0x69: {  	_ =	shalt  }
0x6a: {  	_ =	shalt  }
0x6b: {  	_ =	shalt  }
0x6c: {  	_ =	shalt  }
0x6d: {  	_ =	shalt  }
0x6e: {  	_ =	shalt  }
0x6f: {  	_ =	shalt  }
0x70: {  	_ =	shalt  }
0x71: {  	_ =	shalt  }
0x72: {  	_ =	shalt  }
0x73: {  	_ =	shalt  }
0x74: {  	_ =	shalt  }
0x75: {  	_ =	shalt  }
0x76: {  	_ =	shalt  }
0x77: {  	_ =	shalt  }
0x78: {  	_ =	shalt  }
0x79: {  	_ =	shalt  }
0x7a: {  	_ =	shalt  }
0x7b: {  	_ =	shalt  }
0x7c: {  	_ =	shalt  }
0x7d: {  	_ =	shalt  }
0x7e: {  	_ =	shalt  }
0x7f: {  	_ =	shalt  }
0x80: {  	_ =	shalt  }
0x81: {  	_ =	shalt  }
0x82: {  	_ =	shalt  }
0x83: {  	_ =	shalt  }
0x84: {  	_ =	shalt  }
0x85: {  	_ =	shalt  }
0x86: {  	_ =	shalt  }
0x87: {  	_ =	shalt  }
.Lfunc_end0:
.L_simem_size_0:
called_computation_lowered:
.L_overlay_start_0:
0x88: {  	s2 =	sld [smem:$0x3FD9]  }
0x89: {  	s3 =	sld [smem:$0x3FFE];
	_ =	sdelay $0x1  }
0x8a: {  	s1 =	srdreg.scid  }
0x8b: {  	s0 =	sand.u32 $0x1, s1  }
0x8c: {  	s14 =	sshll.u32 s0, $0xA;
	s2 =	sadd.s32 s3, s2  }
0x8d: {  	s2 =	sadd.s32 s2, s14  }
0x8e: {  	[smem:$0x3FB7] =	sst s2  }
0x8f: {  	_ = 	snop  }
0x90: {  	s2 =	sld [smem:$0x3FD0];
	_ =	sdelay $0x2  }
0x91: {  	s4 =	simm.s32 $0xA;
	s5 =	simm.s32 $0x10;
	s15 =	sld [smem:$0x3FC8]  }
0x92: {  	[smem:s5], [sflag:s4] =	dma.local [hbm:s2], $0x1  }
0x93: {  	_ =	swait.eq [sflag:s4], $0x1  }
0x94: {  	[sflag:s4] =	ssyncset.done $0x0  }
0x95: {  	[sflag:s4] =	ssyncadd.s32 $0xFFFFFFFF  }
0x96: {  	s16 =	sld [smem:$0x12];
	(tm) =	ssettm $0x1  }
0x97: {  	s17 =	sld [smem:$0x3FFB];
	_ =	sdelay $0x3  }
0x98: {  	_ =	strace s17  }
0x99: {  	s4 =	sld [smem:$0x3FFC];
	_ =	sdelay $0x3  }
0x9a: {  	_ =	strace s4  }
0x9b: {  	s4 =	sld [smem:$0x3FFD];
	_ =	sdelay $0x3  }
0x9c: {  	_ =	strace s4  }
0x9d: {  	_ =	strace $0x8FFFFFFF  }
0x9e: {  	s18 =	sld [smem:$0x3FDB];
	_ =	sdelay $0x1  }
0x9f: {  	s19 =	simm.s32 $_scs_section_size  }
0xa0: {  	s6 =	simm.s32 $_size__tile_overlayer_lowered;
	s7 =	simm.s32 $_tile_overlayer_lowered  }
0xa1: {  	s22 =	simm.s32 $0x1BFF;
	s21 =	sshll.u32 s7, $0x1;
	s4 =	sadd.s32 s19, s18  }
0xa2: {  	s8 =	simm.s32 $0x0;
	s20 =	sshll.u32 s6, $0x1;
	s6 =	sadd.s32 s21, s4  }
0xa3: {  	[timem:s8], [sflag:s22] =	dma.local [hbm:s6], s20  }
0xa4: {  	_ =	swait.ge [sflag:s22], s20  }
0xa5: {  	s5 =	ssub.s32 $0x0, s20;
	[sflag:s22] =	ssyncset.done $0x0  }
0xa6: {  	[sflag:s22] =	ssyncadd.s32 s5;
	_ =	sdelay $0x1  }
0xa7: {  	s23 =	simm.s32 $0x1B8B  }
0xa8: {  	_ =	swait.ge [sflag:s23], $0x1  }
0xa9: {  	[sflag:s23] =	ssyncset.done $0x0  }
0xaa: {  	s25 =	simm.s32 $0x1B8E;
	s24 =	sld [smem:$0x3FFE];
	[sflag:s23] =	ssyncadd.s32 $0xFFFFFFFF  }
0xab: {  	s26 =	simm.s32 $execute0_lowered;
	[smem:$0x3FD2] =	sst s25  }
0xac: {  	s6 =	sshll.u32 s26, $0x1;
	_ =	strace $0x80000046;
	[dreg:$0x1] =	wrdreg $0xFFFFFFFF  }
0xad: {  	s28 =	simm.s32 $_size_execute0_lowered;
	s4 =	sadd.s32 s4, s6;
	[dreg:$0x0] =	wrdreg $0x0  }
0xae: {  	s6 =	sshll.u32 s28, $0x1;
	[dreg:$0x2] =	wrdreg s4  }
0xaf: {  	[dreg:$0x3] =	wrdreg s6  }
0xb0: {  	[dreg:$0x4] =	wrdreg $0xC0  }
0xb1: {  	_ =	task [dreg:s8], $0x5FFFF  }
0xb2: {  	[dreg:$0x1] =	wrdreg $0xFFFFFFFF  }
0xb3: {  	[dreg:$0x0] =	wrdreg $0x60  }
0xb4: {  	[dreg:$0x2] =	wrdreg s16  }
0xb5: {  	[dreg:$0x3] =	wrdreg s15  }
0xb6: {  	[dreg:$0x4] =	wrdreg s24  }
0xb7: {  	[dreg:$0x5] =	wrdreg $0x9  }
0xb8: {  	_ =	task.clear_ibuf [dreg:s8], $0x6FFFF;
	_ =	strace $0x90000046  }
0xb9: {  	s29 =	simm.s32 $0x9;
	_ =	strace $0x80000048  }
0xba: {  	_ =	swait.ge [sflag:s29], $0x1  }
0xbb: {  	[sflag:s29] =	ssyncadd.s32 $0xFFFFFFFF  }
0xbc: {  	_ =	strace $0x90000048  }
0xbd: {  	_ =	sfence  }
0xbe: {  	s30 =	sld [smem:$0x0];
	_ =	sdelay $0x2  }
0xbf: {  	s31 =	sshll.u32 s1, $0xD;
	s1 =	sshrl.u32 s1, $0x2  }
0xc0: {  	s3 =	sand.u32 $0x4000, s31;
	s1 =	sadd.s32 s1, s30  }
0xc1: {  	s0 =	sor.u32 s3, s0;
	s1 =	sshll.u32 s1, $0x11  }
0xc2: {  	s0 =	sor.u32 s1, s0  }
0xc3: {  	s0 =	sadd.s32 $0x8F2B, s0  }
0xc4: {  	[sflag:s0] =	ssyncadd.remote.s32 $0x1  }
0xc5: {  	_ =	sfence.sel $0xFFFF  }
0xc6: {  	[dreg:$0x0] =	wrdreg $0xFFFFFFFF;
	(pc) =	sbr.abs _section_cstart, $3  }
0xc7: {  	[dreg:$0x1] =	wrdreg $0xFFFFFFFF  }
0xc8: {  	_ =	task.clear_ibuf [dreg:s8], $0x2FFFF;
	_ =	strace $0x9FFFFFFF  }
0xc9: {  	(tm) =	ssettm $0x7FFFFFFF  }
tec
execute0_lowered:
.L_overlay_start_1:
0x0: {  	(tag) =	ssettag $0x1  }
0x1: {  	s5 =	rddreg [dreg:$0x0]  }
0x2: {  	s3 =	stileid.u32;
	s2 =	rddreg [dreg:$0x1]  }
0x3: {  	s0 =	srdreg.scid;
	s6 =	rddreg [dreg:$0x2];
	s4 =	simm.s32 $0x0  }
0x4: {  	s13 =	simm.s32 $0x2;
	s14 =	simm.s32 $0x1000;
	s15 =	simm.s32 $0x1180  }
0x5: {  	s25 =	simm.s32 $0x6180;
	s28 =	simm.s32 $0x7180;
	s29 =	simm.s32 $0x7980  }
0x6: {  	s30 =	simm.s32 $0x8180;
	s31 =	simm.s32 $0x8980;
	s12 =	simm.s32 $0xA980  }
0x7: {  	s16 =	simm.s32 $0xB180;
	s17 =	simm.s32 $0xB980;
	s18 =	simm.s32 $0xC180  }
0x8: {  	s19 =	simm.s32 $0xC980;
	s20 =	simm.s32 $0x1;
	s21 =	simm.s32 $0x0  }
0x9: {  	s1 =	sshll.u32 s3, $0x1;
	s0 =	sand.u32 $0x1, s0;
	s7 =	sshrl.u32 s3, $0x1  }
0xa: {  	[smem:$0x7FF] =	sst s4;
	s1 =	sand.u32 $0x2, s1;
	s26 =	smul.u32 $0xC0, s7  }
0xb: {  	_ =	strace $0x80000047;
	s9 =	sshll.u32 s7, $0x4;
	s1 =	sor.u32 s0, s1  }
0xc: {  	s11 =	sshll.u32 s7, $0xC;
	s0 =	ssub.s32 $0x2, s0;
	s3 =	smul.u32 $0x30, s1  }
0xd: {  	s7 =	sadd.s32 $0x200, s2;
	s5 =	sadd.s32 s5, s9;
	s8 =	sshrl.u32 s0, $0x1  }
0xe: {  	v0 =	vmov s11;
	s11 =	simm.s32 $0xA180;
	s0 =	ssub.s32 s0, s8;
	s1 =	sadd.s32 s26, s3  }
0xf: {  	v1 =	vlaneseq.u32;
	s8 =	sadd.s32 $0x300, s2;
	s10 =	smax.u32 s0, $0x1;
	s1 =	sshll.u32 s1, $0x7  }
0x10: {  	v2 =	vimm.s32 $0x0;
	vm0 =	vmmov $0xffff;
	v4 =	vshrl.u32 v1, $0x3;
	s26 =	simm.s32 $0x6980;
	s0 =	simm.s32 $0x9980;
	s1 =	sadd.s32 s1, s6  }
0x11: {  	v3 =	vand.u32 $0x7, v1;
	v5 =	vor.u32 $0x8, v1;
	v4 =	vmul.u32 $0x8, v4;
	s6 =	sadd.s32 $0x100, s2;
	s9 =	sadd.s32 $0x2800, s1;
	s1 =	simm.s32 $0x9180  }
.LBB2_1:
0x12: {  	s22 =	simm.s32 $0x80;
	s23 =	simm.s32 $0x400  }
0x13: {  	[tilespmem:s4], [sflag:$0x2] =	stream.strided.gather [hbm4b:s5+s22], $0x1000, s23, s22, $0x38;
	[tilespmem:$0xD180] =	vst v63  }
0x14: {  	_ =	swait.ge [sflag:s13], $0x1000  }
0x15: {  	[sflag:s13] =	ssyncset.done $0x0  }
0x16: {  	[sflag:s13] =	ssyncadd.s32 $0xFFFFF000  }
0x17: {  	[tilespmem:$0x1000] =	vst v2  }
0x18: {  	[tilespmem:$0x1010] =	vst v2  }
0x19: {  	[tilespmem:$0x1020] =	vst v2  }
0x1a: {  	[tilespmem:$0x1030] =	vst v2  }
0x1b: {  	[tilespmem:$0x1040] =	vst v2  }
0x1c: {  	[tilespmem:$0x1050] =	vst v2  }
0x1d: {  	[tilespmem:$0x1060] =	vst v2  }
0x1e: {  	[tilespmem:$0x1070] =	vst v2  }
0x1f: {  	[tilespmem:$0x1080] =	vst v2  }
0x20: {  	[tilespmem:$0x1090] =	vst v2  }
0x21: {  	[tilespmem:$0x10A0] =	vst v2  }
0x22: {  	[tilespmem:$0x10B0] =	vst v2  }
0x23: {  	s24 =	simm.s32 $0x0;
	s22 =	simm.s32 $0x10;
	s23 =	simm.s32 $0x0;
	v6 =	vld [tilespmem:s4+$0x0]  }
.LBB2_2:
0x24: {  	p0 =	sne.s32 s22, $0xFF0;
	_ =	sdelay $0x3  }
.Ltmp0:
0x25: {  	(pc) =	sbr.rel @p0 .LBB2_2-.Ltmp0, $4  }
0x26: {  	_ = 	snop  }
0x27: {  	v7 =	vor.u32 s23, v1;
	s23 =	smov.u32 s22  }
0x28: {  	s24 =	sadd.s32 $0x10, s24;
	[tilespmem:v6+s14+$0x0] =	vst.idx.msk $0xffff, v7  }
0x29: {  	s22 =	sadd.s32 $0x10, s22;
	v6 =	vld [tilespmem:s24+$0x0]  }
0x2a: {  	_ =	sdelay $0x6  }
0x2b: {  	v7 =	vor.u32 s23, v1  }
0x2c: {  	[tilespmem:v6+s14+$0x0] =	vst.idx.msk $0xffff, v7  }
0x2d: {  	v6 =	vld [tilespmem:s3+$0x1000];
	_ =	sdelay $0x4  }
0x2e: {  	v7 =	vadd.s32 v0, v6  }
0x2f: {  	[tilespmem:$0x1100] =	vst v7  }
0x30: {  	v8 =	vld [tilespmem:s3+$0x1010];
	_ =	sdelay $0x3  }
0x31: {  	v7 =	vshll.u32 v7, $0x3  }
0x32: {  	v6 =	vand.u32 $0x7, v6;
	v7 =	vand.u32 $0xFFFFFFC0, v7;
	v8 =	vadd.s32 v0, v8  }
0x33: {  	v6 =	vor.u32 v6, v7;
	[tilespmem:$0x1110] =	vst v8  }
0x34: {  	v63 =	vperm.xlane v6, v3;
	v7 =	vld [tilespmem:s3+$0x1020];
	_ =	sdelay $0x1  }
0x35: {  	v8 =	vadd.s32 v4, v63;
	_ =	sdelay $0x2  }
0x36: {  	v7 =	vadd.s32 v0, v7  }
0x37: {  	[tilespmem:$0x1120] =	vst v7  }
0x38: {  	[tilespmem:s15], [sflag:$0x1] =	stream.indirect_vreg.gather [hbm4b:s2+s4], $0x80, v8, vm0, $0xb8;
	[tilespmem:$0xD180] =	vst v63  }
0x39: {  	s22 =	simm.s32 $0x1980;
	v6 =	vperm.xlane v6, v5  }
0x3a: {  	[tilespmem:s22], [sflag:$0x1] =	stream.indirect_vreg.gather [hbm4b:s6+s4], $0x80, v8, vm0, $0xb8;
	[tilespmem:$0xD180] =	vst v63  }
0x3b: {  	s23 =	simm.s32 $0x2180;
	v6 =	vadd.s32 v4, v6  }
0x3c: {  	[tilespmem:s23], [sflag:$0x1] =	stream.indirect_vreg.gather [hbm4b:s7+s4], $0x80, v8, vm0, $0xb8;
	[tilespmem:$0xD180] =	vst v63  }
0x3d: {  	s24 =	simm.s32 $0x2980  }
0x3e: {  	[tilespmem:s24], [sflag:$0x1] =	stream.indirect_vreg.gather [hbm4b:s8+s4], $0x80, v8, vm0, $0xb8;
	[tilespmem:$0xD180] =	vst v63  }
0x3f: {  	s23 =	simm.s32 $0x3180  }
0x40: {  	[tilespmem:s23], [sflag:$0x1] =	stream.indirect_vreg.gather [hbm4b:s2+s4], $0x80, v6, vm0, $0xb8;
	[tilespmem:$0xD180] =	vst v63  }
0x41: {  	s24 =	simm.s32 $0x3980  }
0x42: {  	[tilespmem:s24], [sflag:$0x1] =	stream.indirect_vreg.gather [hbm4b:s6+s4], $0x80, v6, vm0, $0xb8;
	[tilespmem:$0xD180] =	vst v63  }
0x43: {  	s23 =	simm.s32 $0x4180  }
0x44: {  	[tilespmem:s23], [sflag:$0x1] =	stream.indirect_vreg.gather [hbm4b:s7+s4], $0x80, v6, vm0, $0xb8;
	[tilespmem:$0xD180] =	vst v63  }
0x45: {  	s24 =	simm.s32 $0x4980  }
0x46: {  	[tilespmem:s24], [sflag:$0x1] =	stream.indirect_vreg.gather [hbm4b:s8+s4], $0x80, v6, vm0, $0xb8;
	[tilespmem:$0xD180] =	vst v63  }
0x47: {  	v6 =	vld [tilespmem:$0x1110];
	_ =	sdelay $0x4  }
0x48: {  	v7 =	vshll.u32 v6, $0x3  }
0x49: {  	v6 =	vand.u32 $0x7, v6;
	v7 =	vand.u32 $0xFFFFFFC0, v7  }
0x4a: {  	v6 =	vor.u32 v6, v7  }
0x4b: {  	v7 =	vperm.xlane v6, v3;
	_ =	sdelay $0x1  }
0x4c: {  	v7 =	vadd.s32 v4, v7;
	_ =	sdelay $0x3  }
0x4d: {  	s23 =	simm.s32 $0x5180  }
0x4e: {  	[tilespmem:s23], [sflag:$0x1] =	stream.indirect_vreg.gather [hbm4b:s2+s4], $0x80, v7, vm0, $0xb8;
	[tilespmem:$0xD180] =	vst v63  }
0x4f: {  	s24 =	simm.s32 $0x5980;
	v6 =	vperm.xlane v6, v5  }
0x50: {  	[tilespmem:s24], [sflag:$0x1] =	stream.indirect_vreg.gather [hbm4b:s6+s4], $0x80, v7, vm0, $0xb8;
	[tilespmem:$0xD180] =	vst v63  }
0x51: {  	v6 =	vadd.s32 v4, v6  }
0x52: {  	[tilespmem:s25], [sflag:$0x1] =	stream.indirect_vreg.gather [hbm4b:s7+s4], $0x80, v7, vm0, $0xb8;
	[tilespmem:$0xD180] =	vst v63  }
0x53: {  	_ = 	snop  }
0x54: {  	[tilespmem:s26], [sflag:$0x1] =	stream.indirect_vreg.gather [hbm4b:s8+s4], $0x80, v7, vm0, $0xb8;
	[tilespmem:$0xD180] =	vst v63  }
0x55: {  	_ = 	snop  }
0x56: {  	[tilespmem:s28], [sflag:$0x1] =	stream.indirect_vreg.gather [hbm4b:s2+s4], $0x80, v6, vm0, $0xb8;
	[tilespmem:$0xD180] =	vst v63  }
0x57: {  	_ = 	snop  }
0x58: {  	[tilespmem:s29], [sflag:$0x1] =	stream.indirect_vreg.gather [hbm4b:s6+s4], $0x80, v6, vm0, $0xb8;
	[tilespmem:$0xD180] =	vst v63  }
0x59: {  	_ = 	snop  }
0x5a: {  	[tilespmem:s30], [sflag:$0x1] =	stream.indirect_vreg.gather [hbm4b:s7+s4], $0x80, v6, vm0, $0xb8;
	[tilespmem:$0xD180] =	vst v63  }
0x5b: {  	_ = 	snop  }
0x5c: {  	[tilespmem:s31], [sflag:$0x1] =	stream.indirect_vreg.gather [hbm4b:s8+s4], $0x80, v6, vm0, $0xb8;
	[tilespmem:$0xD180] =	vst v63  }
0x5d: {  	v6 =	vld [tilespmem:$0x1120];
	_ =	sdelay $0x4  }
0x5e: {  	v7 =	vshll.u32 v6, $0x3  }
0x5f: {  	v6 =	vand.u32 $0x7, v6;
	v7 =	vand.u32 $0xFFFFFFC0, v7  }
0x60: {  	v6 =	vor.u32 v6, v7  }
0x61: {  	v7 =	vperm.xlane v6, v3;
	_ =	sdelay $0x1  }
0x62: {  	v7 =	vadd.s32 v4, v7;
	_ =	sdelay $0x4  }
0x63: {  	[tilespmem:s1], [sflag:$0x1] =	stream.indirect_vreg.gather [hbm4b:s2+s4], $0x80, v7, vm0, $0xb8;
	[tilespmem:$0xD180] =	vst v63  }
0x64: {  	v6 =	vperm.xlane v6, v5  }
0x65: {  	[tilespmem:s0], [sflag:$0x1] =	stream.indirect_vreg.gather [hbm4b:s6+s4], $0x80, v7, vm0, $0xb8;
	[tilespmem:$0xD180] =	vst v63  }
0x66: {  	v6 =	vadd.s32 v4, v6  }
0x67: {  	[tilespmem:s11], [sflag:$0x1] =	stream.indirect_vreg.gather [hbm4b:s7+s4], $0x80, v7, vm0, $0xb8;
	[tilespmem:$0xD180] =	vst v63  }
0x68: {  	_ = 	snop  }
0x69: {  	[tilespmem:s12], [sflag:$0x1] =	stream.indirect_vreg.gather [hbm4b:s8+s4], $0x80, v7, vm0, $0xb8;
	[tilespmem:$0xD180] =	vst v63  }
0x6a: {  	_ = 	snop  }
0x6b: {  	[tilespmem:s16], [sflag:$0x1] =	stream.indirect_vreg.gather [hbm4b:s2+s4], $0x80, v6, vm0, $0xb8;
	[tilespmem:$0xD180] =	vst v63  }
0x6c: {  	_ = 	snop  }
0x6d: {  	[tilespmem:s17], [sflag:$0x1] =	stream.indirect_vreg.gather [hbm4b:s6+s4], $0x80, v6, vm0, $0xb8;
	[tilespmem:$0xD180] =	vst v63  }
0x6e: {  	_ = 	snop  }
0x6f: {  	[tilespmem:s18], [sflag:$0x1] =	stream.indirect_vreg.gather [hbm4b:s7+s4], $0x80, v6, vm0, $0xb8;
	[tilespmem:$0xD180] =	vst v63  }
0x70: {  	_ = 	snop  }
0x71: {  	[tilespmem:s19], [sflag:$0x1] =	stream.indirect_vreg.gather [hbm4b:s8+s4], $0x80, v6, vm0, $0xb8;
	[tilespmem:$0xD180] =	vst v63  }
0x72: {  	s21 =	sadd.s32 $0x1, s21;
	_ =	swait.ge [sflag:s20], $0xC000  }
0x73: {  	p0 =	sne.s32 s21, s10;
	[sflag:s20] =	ssyncset.done $0x0  }
.Ltmp1:
0x74: {  	[sflag:s20] =	ssyncadd.s32 $0xFFFF4000;
	(pc) =	sbr.rel @p0 .LBB2_1-.Ltmp1, $4  }
0x75: {  	[hbm4b:s9+s4] =	stream.linear.scatter [tilespmem:s15], [sflag:$0x2], $0xC000, $0x38;
	[tilespmem:$0xD180] =	vst v63  }
0x76: {  	_ =	swait.ge [sflag:s13], $0xC000  }
0x77: {  	[sflag:s13] =	ssyncset.done $0x0  }
0x78: {  	[sflag:s13] =	ssyncadd.s32 $0xFFFF4000  }
0x79: {  	_ =	sfence.sel $0x180000  }
0x7a: {  	[bflag:$0x0] =	sbarrier.arrive $0xFFFF  }
0x7b: {  	_ =	strace $0x90000047  }
0x7c: {  	s0 =	stileid.u32;
	[bflag:$0x2] =	sbarrier.arrive $0xFFFF  }
0x7d: {  	p0 =	sne.s32 s0, $0x0;
	s0 =	rddreg [dreg:$0x3]  }
0x7e: {  	s0 =	sadd.s32 @!p0 $0x100000, s0  }
0x7f: {  	[sflag:s0] =	ssyncadd.tile.s32 @!p0 $0x1;
	_ =	shalt  }
.Lfunc_end2:
_tile_overlayer_lowered:
.L_overlay_start_2:
0x80: {  	(tag) =	ssettag $0x2  }
0x81: {  	s0 =	rddreg [dreg:$0x0];
	s2 =	stileid.u32  }
0x82: {  	s1 =	rddreg [dreg:$0x1];
	p0 =	sne.s32 s2, $0x0  }
0x83: {  	s3 =	rddreg [dreg:$0x2];
	[bflag:$0x3] =	sbarrier.arrive $0xFFFF;
	s2 =	simm.s32 @!p0 $0x1C02  }
0x84: {  	[timem:s3], [sflag:s2] =	dma.local @!p0 [hbm:s0], s1  }
0x85: {  	s0 =	simm.s32 @!p0 $0x2  }
0x86: {  	_ =	swait.ge @!p0 [sflag:s0], s1  }
0x87: {  	s1 =	ssub.s32 @!p0 $0x0, s1;
	[sflag:s0] =	ssyncset.done @!p0 $0x0  }
0x88: {  	[sflag:s0] =	ssyncadd.s32 @!p0 s1  }
0x89: {  	[bflag:$0x3] =	sbarrier.arrive $0xFFFF  }
0x8a: {  	_ =	shalt  }

</sc_bundles>
